<compile_context>
chip_gen: v7x
topology: tpu7x:2x2x1
jax: 0.10.2.dev20260603
libtpu: 0.0.44.dev20260713+nightly
codegen_flags: <defaults>
</compile_context>

<pallas_src>
import functools

import jax
import jax.numpy as jnp
from jax import lax
from jax.experimental import pallas as pl
from jax.experimental.pallas import tpu as pltpu
from jax.experimental.pallas import tpu_sc as plsc

B = 16384
K = 8192
D = 64
CW = 0.25

BBLK = 512

NC = 2
NS = 16
NW = NC * NS
BPW = B // NW
ICH = 128
NCH = BPW // ICH


def _argmax_body(z_ref, emb_ref, idx_ref, idxsc_ref, zn_ref, en_ref):
    @pl.when(pl.program_id(0) == 0)
    def _():
        e = emb_ref[...]
        enrm = jnp.sqrt(jnp.sum(e * e, axis=1, keepdims=True))
        en_ref[...] = e / jnp.maximum(enrm, 1e-12)

    z = z_ref[...]
    nrm = jnp.sqrt(jnp.sum(z * z, axis=1, keepdims=True))
    zn = z / jnp.maximum(nrm, 1e-12)
    zn_ref[...] = zn

    sim = lax.dot_general(zn, en_ref[...], (((1,), (1,)), ((), ())),
                          preferred_element_type=jnp.float32)
    ix = jnp.argmax(sim, axis=1).astype(jnp.int32)
    idx_ref[...] = ix
    idxsc_ref[0] = ix.reshape(BBLK // ICH, ICH)


def _sc_gather_hist_body(emb_hbm, idx_hbm,
                         zq_hbm, cnt_hbm,
                         idx_v, rows_v, ones_v, zed_v, hist_sh, sem):
    c = lax.axis_index("c")
    s = lax.axis_index("s")
    wid = s * NC + c
    base = wid * BPW
    zslice = K // NS

    pltpu.sync_copy(idx_hbm.at[wid], idx_v)
    one16 = jnp.ones((16,), jnp.float32)
    zero16 = jnp.zeros((16,), jnp.float32)
    for j in range(NCH):
        for t in range(ICH // 16):
            ones_v[j, pl.ds(t * 16, 16)] = one16
    for t in range(zslice // 16):
        zed_v[pl.ds(t * 16, 16)] = zero16
    pltpu.sync_copy(zed_v, hist_sh.at[pl.ds(s * zslice, zslice)])
    plsc.subcore_barrier()

    cps = [pltpu.async_copy(emb_hbm.at[idx_v.at[j]],
                            rows_v.at[pl.ds(j * ICH, ICH)], sem)
           for j in range(NCH)]
    for j in range(NCH):
        pltpu.sync_copy(ones_v.at[j], hist_sh.at[idx_v.at[j]], add=True)
    for cp in cps:
        cp.wait()
    pltpu.sync_copy(rows_v, zq_hbm.at[pl.ds(base, BPW)])

    plsc.subcore_barrier()

    @pl.when(s == 0)
    def _():
        pltpu.sync_copy(hist_sh, cnt_hbm.at[c])


SGRID = 8


def _scalars_body(zn_ref, zq_ref, cnt_ref, out_ref, acc_ref):
    i = pl.program_id(0)
    diff = zn_ref[...] - zq_ref[...]
    ps = jnp.sum(diff * diff)

    @pl.when(i == 0)
    def _():
        acc_ref[0] = ps

    @pl.when(i > 0)
    def _():
        acc_ref[0] = acc_ref[0] + ps

    @pl.when(i == SGRID - 1)
    def _():
        m = acc_ref[0] / (B * D)
        cnt = jnp.sum(cnt_ref[...], axis=0)
        avg = cnt * (1.0 / B)
        ent = jnp.sum(avg * jnp.log(avg + 1e-10))
        out_ref[0] = CW * m
        out_ref[1] = m
        out_ref[2] = jnp.exp(-ent)
        out_ref[3] = jnp.sum((cnt > 0).astype(jnp.float32)) * (1.0 / K)


def kernel(z_e, embeddings):
    indices, idxsc, zn = pl.pallas_call(
        _argmax_body,
        grid=(B // BBLK,),
        in_specs=[
            pl.BlockSpec((BBLK, D), lambda i: (i, 0)),
            pl.BlockSpec((K, D), lambda i: (0, 0)),
        ],
        out_specs=[
            pl.BlockSpec((BBLK,), lambda i: (i,)),
            pl.BlockSpec((1, BBLK // ICH, ICH), lambda i: (i, 0, 0)),
            pl.BlockSpec((BBLK, D), lambda i: (i, 0)),
        ],
        out_shape=[
            jax.ShapeDtypeStruct((B,), jnp.int32),
            jax.ShapeDtypeStruct((NW, NCH, ICH), jnp.int32),
            jax.ShapeDtypeStruct((B, D), jnp.float32),
        ],
        scratch_shapes=[pltpu.VMEM((K, D), jnp.float32)],
    )(z_e, embeddings)

    sc_gather = functools.partial(
        pl.kernel,
        mesh=plsc.VectorSubcoreMesh(core_axis_name="c", subcore_axis_name="s"),
        out_type=[
            jax.ShapeDtypeStruct((B, D), jnp.float32),
            jax.ShapeDtypeStruct((NC, K), jnp.float32),
        ],
        scratch_types=[
            pltpu.VMEM((NCH, ICH), jnp.int32),
            pltpu.VMEM((BPW, D), jnp.float32),
            pltpu.VMEM((NCH, ICH), jnp.float32),
            pltpu.VMEM((K // NS,), jnp.float32),
            pltpu.VMEM_SHARED((K,), jnp.float32),
            pltpu.SemaphoreType.DMA,
        ],
        compiler_params=pltpu.CompilerParams(use_tc_tiling_on_sc=False),
    )(_sc_gather_hist_body)

    z_q, cnt2 = sc_gather(embeddings, idxsc)

    scal = pl.pallas_call(
        _scalars_body,
        grid=(SGRID,),
        in_specs=[
            pl.BlockSpec((B // SGRID, D), lambda i: (i, 0)),
            pl.BlockSpec((B // SGRID, D), lambda i: (i, 0)),
            pl.BlockSpec((NC, K), lambda i: (0, 0)),
        ],
        out_specs=pl.BlockSpec(memory_space=pltpu.SMEM),
        out_shape=jax.ShapeDtypeStruct((4,), jnp.float32),
        scratch_shapes=[pltpu.SMEM((1,), jnp.float32)],
    )(zn, z_q, cnt2)

    return (z_q, indices, scal[0], scal[1], scal[2], scal[3])

# --- scband reference (transcript-rebuilt; emitter-appended) ---
"""Pipeline reference for scband-spherical-codebook-25280177504373 (READ-ONLY COPY).

The authoritative reference and input builder live on the scoring server;
editing this copy changes nothing except your own understanding.
"""

import jax, jax.numpy as jnp
import numpy as np

NUM_CODES = 8192
LATENT_DIM = 64
COMMITMENT_WEIGHT = 0.25


def l2_normalize(x, axis=-1, eps=1e-12):
    norm = jnp.linalg.norm(x, axis=axis, keepdims=True)
    return x / jnp.maximum(norm, eps)


def setup_inputs(seed: int = 0) -> dict:
    key = jax.random.key(seed)
    k1, k2 = jax.random.split(key)
    z_e = jax.random.normal(k1, (16384, LATENT_DIM), dtype=jnp.float32)
    embeddings = l2_normalize(jax.random.normal(k2, (NUM_CODES, LATENT_DIM), dtype=jnp.float32))
    return {"z_e": z_e, "embeddings": embeddings}


def reference(z_e, embeddings):
    # Eval-mode forward of SphericalCodebook (no EMA / kmeans-init / dead-code revival).
    z_e_norm = l2_normalize(z_e, axis=-1)
    emb_norm = l2_normalize(embeddings, axis=-1)
    sim = z_e_norm @ emb_norm.T                     # (B, K) dense similarity
    indices = jnp.argmax(sim, axis=-1)              # (B,)
    z_q = jnp.take(emb_norm, indices, axis=0)       # gather (B, D)
    commitment_loss = COMMITMENT_WEIGHT * jnp.mean((z_e_norm - jax.lax.stop_gradient(z_q)) ** 2)
    codebook_loss = jnp.mean((jax.lax.stop_gradient(z_e_norm) - z_q) ** 2)
    z_q_ste = z_e_norm + jax.lax.stop_gradient(z_q - z_e_norm)
    onehot = jax.nn.one_hot(indices, NUM_CODES, dtype=jnp.float32)
    avg_probs = jnp.mean(onehot, axis=0)
    perplexity = jnp.exp(-jnp.sum(avg_probs * jnp.log(avg_probs + 1e-10)))
    utilization = jnp.mean((avg_probs > 0).astype(jnp.float32))
    return (z_q_ste, indices, commitment_loss, codebook_loss, perplexity, utilization)

if __name__ == "__main__":
    import jax
    _d = setup_inputs()
    print(jax.jit(kernel)(*tuple(_d.values())))

</pallas_src>

<mosaic_0001>
#map = affine_map<(d0, d1) -> (0, 0)>
#map1 = affine_map<(d0, d1) -> (0, 0, 0)>
module attributes {stable_mosaic.version = 14 : i64} {
  func.func @_sc_gather_hist_body(%arg0: i32, %arg1: i32, %arg2: memref<8192x64xf32, #tpu.memory_space<hbm>>, %arg3: memref<32x4x128xi32, #tpu.memory_space<hbm>>, %arg4: memref<16384x64xf32, #tpu.memory_space<hbm>>, %arg5: memref<2x8192xf32, #tpu.memory_space<hbm>>, %arg6: memref<4x128xi32, #tpu.memory_space<vmem>>, %arg7: memref<512x64xf32, #tpu.memory_space<vmem>>, %arg8: memref<4x128xf32, #tpu.memory_space<vmem>>, %arg9: memref<512xf32, #tpu.memory_space<vmem>>, %arg10: memref<8192xf32, #tpu.memory_space<vmem_shared>>, %arg11: memref<!tpu.dma_semaphore, #tpu.memory_space<semaphore_mem>>) attributes {dimension_semantics = [#tpu.dimension_semantics<core_parallel>, #tpu.dimension_semantics<subcore_parallel>], iteration_bounds = array<i64: 2, 16>, scalar_prefetch = 0 : i64, scratch_operands = 6 : i64, tpu.core_type = #tpu.core_type<sc_vector_subcore>, window_params = [{transform_indices = #map}, {transform_indices = #map1}, {transform_indices = #map}, {transform_indices = #map}]} {
    %mul3A = arith.constant 2 : i32
    %mul3A_0 = arith.muli %arg1, %mul3A : i32
    %add3A = arith.addi %mul3A_0, %arg0 : i32
    %mul3A_1 = arith.constant 512 : i32
    %mul3A_2 = arith.muli %add3A, %mul3A_1 : i32
    "tpu.region"() ({
      %run_scoped3A_415 = tpu.sem_alloc : memref<!tpu.dma_semaphore, #tpu.memory_space<semaphore_mem>>
      %dma_start3A_416 = arith.constant 0 : i32
      %dma_start3A_417 = arith.constant 0 : i32
      %dma_start3A_418 = tpu.memref_slice %arg3[%add3A, %dma_start3A_416, %dma_start3A_417] : memref<32x4x128xi32, #tpu.memory_space<hbm>> -> memref<1x4x128xi32, #tpu.memory_space<hbm>>
      %dma_start3A_419 = tpu.memref_squeeze %dma_start3A_418 : memref<1x4x128xi32, #tpu.memory_space<hbm>> -> memref<4x128xi32, #tpu.memory_space<hbm>>
      %dma_start3A_420 = arith.constant 0 : i32
      %dma_start3A_421 = arith.constant 0 : i32
      %dma_start3A_422 = tpu.memref_slice %arg3[%add3A, %dma_start3A_420, %dma_start3A_421] : memref<32x4x128xi32, #tpu.memory_space<hbm>> -> memref<1x4x128xi32, #tpu.memory_space<hbm>>
      %dma_start3A_423 = tpu.memref_squeeze %dma_start3A_422 : memref<1x4x128xi32, #tpu.memory_space<hbm>> -> memref<4x128xi32, #tpu.memory_space<hbm>>
      tpu.enqueue_dma source(%dma_start3A_423 : memref<4x128xi32, #tpu.memory_space<hbm>>) target(%arg6 : memref<4x128xi32, #tpu.memory_space<vmem>>) target_semaphore(%run_scoped3A_415 : memref<!tpu.dma_semaphore, #tpu.memory_space<semaphore_mem>>)
      %dma_wait3A_424 = arith.constant 0 : i32
      %dma_wait3A_425 = arith.constant 0 : i32
      %dma_wait3A_426 = tpu.memref_slice %arg3[%add3A, %dma_wait3A_424, %dma_wait3A_425] : memref<32x4x128xi32, #tpu.memory_space<hbm>> -> memref<1x4x128xi32, #tpu.memory_space<hbm>>
      %dma_wait3A_427 = tpu.memref_squeeze %dma_wait3A_426 : memref<1x4x128xi32, #tpu.memory_space<hbm>> -> memref<4x128xi32, #tpu.memory_space<hbm>>
      %dma_wait3A_428 = arith.constant 0 : i32
      %dma_wait3A_429 = arith.constant 0 : i32
      %dma_wait3A_430 = tpu.memref_slice %arg3[%add3A, %dma_wait3A_428, %dma_wait3A_429] : memref<32x4x128xi32, #tpu.memory_space<hbm>> -> memref<1x4x128xi32, #tpu.memory_space<hbm>>
      %dma_wait3A_431 = tpu.memref_squeeze %dma_wait3A_430 : memref<1x4x128xi32, #tpu.memory_space<hbm>> -> memref<4x128xi32, #tpu.memory_space<hbm>>
      tpu.wait_dma2 semaphore(%run_scoped3A_415 : memref<!tpu.dma_semaphore, #tpu.memory_space<semaphore_mem>>) src(%dma_wait3A_431 : memref<4x128xi32, #tpu.memory_space<hbm>>) dst(%arg6 : memref<4x128xi32, #tpu.memory_space<vmem>>)
      tpu.yield
    }) : () -> ()
    %broadcast_in_dim3A = arith.constant 1.000000e+00 : f32
    %broadcast_in_dim3A_3 = vector.broadcast %broadcast_in_dim3A : f32 to vector<16xf32>
    %broadcast_in_dim3A_4 = arith.constant 0.000000e+00 : f32
    %broadcast_in_dim3A_5 = vector.broadcast %broadcast_in_dim3A_4 : f32 to vector<16xf32>
    %swap3A = arith.constant 0 : i32
    %swap3A_6 = arith.index_cast %swap3A : i32 to index
    %swap3A_7 = arith.constant 0 : index
    %swap3A_8 = tpu.vector_load %arg8[%swap3A_6, %swap3A_7] {strides = array<i32>} : memref<4x128xf32, #tpu.memory_space<vmem>>, vector<1x16xf32>,
    %swap3A_9 = vector.shape_cast %swap3A_8 : vector<1x16xf32> to vector<16xf32>
    %swap3A_10 = vector.shape_cast %broadcast_in_dim3A_3 : vector<16xf32> to vector<1x16xf32>
    tpu.vector_store %arg8[%swap3A_6, %swap3A_7], %swap3A_10 {strides = array<i32>} : memref<4x128xf32, #tpu.memory_space<vmem>>, vector<1x16xf32>,
    %swap3A_11 = arith.constant 0 : i32
    %swap3A_12 = arith.index_cast %swap3A_11 : i32 to index
    %swap3A_13 = arith.constant 16 : index
    %swap3A_14 = tpu.vector_load %arg8[%swap3A_12, %swap3A_13] {strides = array<i32>} : memref<4x128xf32, #tpu.memory_space<vmem>>, vector<1x16xf32>,
    %swap3A_15 = vector.shape_cast %swap3A_14 : vector<1x16xf32> to vector<16xf32>
    %swap3A_16 = vector.shape_cast %broadcast_in_dim3A_3 : vector<16xf32> to vector<1x16xf32>
    tpu.vector_store %arg8[%swap3A_12, %swap3A_13], %swap3A_16 {strides = array<i32>} : memref<4x128xf32, #tpu.memory_space<vmem>>, vector<1x16xf32>,
    %swap3A_17 = arith.constant 0 : i32
    %swap3A_18 = arith.index_cast %swap3A_17 : i32 to index
    %swap3A_19 = arith.constant 32 : index
    %swap3A_20 = tpu.vector_load %arg8[%swap3A_18, %swap3A_19] {strides = array<i32>} : memref<4x128xf32, #tpu.memory_space<vmem>>, vector<1x16xf32>,
    %swap3A_21 = vector.shape_cast %swap3A_20 : vector<1x16xf32> to vector<16xf32>
    %swap3A_22 = vector.shape_cast %broadcast_in_dim3A_3 : vector<16xf32> to vector<1x16xf32>
    tpu.vector_store %arg8[%swap3A_18, %swap3A_19], %swap3A_22 {strides = array<i32>} : memref<4x128xf32, #tpu.memory_space<vmem>>, vector<1x16xf32>,
    %swap3A_23 = arith.constant 0 : i32
    %swap3A_24 = arith.index_cast %swap3A_23 : i32 to index
    %swap3A_25 = arith.constant 48 : index
    %swap3A_26 = tpu.vector_load %arg8[%swap3A_24, %swap3A_25] {strides = array<i32>} : memref<4x128xf32, #tpu.memory_space<vmem>>, vector<1x16xf32>,
    %swap3A_27 = vector.shape_cast %swap3A_26 : vector<1x16xf32> to vector<16xf32>
    %swap3A_28 = vector.shape_cast %broadcast_in_dim3A_3 : vector<16xf32> to vector<1x16xf32>
    tpu.vector_store %arg8[%swap3A_24, %swap3A_25], %swap3A_28 {strides = array<i32>} : memref<4x128xf32, #tpu.memory_space<vmem>>, vector<1x16xf32>,
    %swap3A_29 = arith.constant 0 : i32
    %swap3A_30 = arith.index_cast %swap3A_29 : i32 to index
    %swap3A_31 = arith.constant 64 : index
    %swap3A_32 = tpu.vector_load %arg8[%swap3A_30, %swap3A_31] {strides = array<i32>} : memref<4x128xf32, #tpu.memory_space<vmem>>, vector<1x16xf32>,
    %swap3A_33 = vector.shape_cast %swap3A_32 : vector<1x16xf32> to vector<16xf32>
    %swap3A_34 = vector.shape_cast %broadcast_in_dim3A_3 : vector<16xf32> to vector<1x16xf32>
    tpu.vector_store %arg8[%swap3A_30, %swap3A_31], %swap3A_34 {strides = array<i32>} : memref<4x128xf32, #tpu.memory_space<vmem>>, vector<1x16xf32>,
    %swap3A_35 = arith.constant 0 : i32
    %swap3A_36 = arith.index_cast %swap3A_35 : i32 to index
    %swap3A_37 = arith.constant 80 : index
    %swap3A_38 = tpu.vector_load %arg8[%swap3A_36, %swap3A_37] {strides = array<i32>} : memref<4x128xf32, #tpu.memory_space<vmem>>, vector<1x16xf32>,
    %swap3A_39 = vector.shape_cast %swap3A_38 : vector<1x16xf32> to vector<16xf32>
    %swap3A_40 = vector.shape_cast %broadcast_in_dim3A_3 : vector<16xf32> to vector<1x16xf32>
    tpu.vector_store %arg8[%swap3A_36, %swap3A_37], %swap3A_40 {strides = array<i32>} : memref<4x128xf32, #tpu.memory_space<vmem>>, vector<1x16xf32>,
    %swap3A_41 = arith.constant 0 : i32
    %swap3A_42 = arith.index_cast %swap3A_41 : i32 to index
    %swap3A_43 = arith.constant 96 : index
    %swap3A_44 = tpu.vector_load %arg8[%swap3A_42, %swap3A_43] {strides = array<i32>} : memref<4x128xf32, #tpu.memory_space<vmem>>, vector<1x16xf32>,
    %swap3A_45 = vector.shape_cast %swap3A_44 : vector<1x16xf32> to vector<16xf32>
    %swap3A_46 = vector.shape_cast %broadcast_in_dim3A_3 : vector<16xf32> to vector<1x16xf32>
    tpu.vector_store %arg8[%swap3A_42, %swap3A_43], %swap3A_46 {strides = array<i32>} : memref<4x128xf32, #tpu.memory_space<vmem>>, vector<1x16xf32>,
    %swap3A_47 = arith.constant 0 : i32
    %swap3A_48 = arith.index_cast %swap3A_47 : i32 to index
    %swap3A_49 = arith.constant 112 : index
    %swap3A_50 = tpu.vector_load %arg8[%swap3A_48, %swap3A_49] {strides = array<i32>} : memref<4x128xf32, #tpu.memory_space<vmem>>, vector<1x16xf32>,
    %swap3A_51 = vector.shape_cast %swap3A_50 : vector<1x16xf32> to vector<16xf32>
    %swap3A_52 = vector.shape_cast %broadcast_in_dim3A_3 : vector<16xf32> to vector<1x16xf32>
    tpu.vector_store %arg8[%swap3A_48, %swap3A_49], %swap3A_52 {strides = array<i32>} : memref<4x128xf32, #tpu.memory_space<vmem>>, vector<1x16xf32>,
    %swap3A_53 = arith.constant 1 : i32
    %swap3A_54 = arith.index_cast %swap3A_53 : i32 to index
    %swap3A_55 = arith.constant 0 : index
    %swap3A_56 = tpu.vector_load %arg8[%swap3A_54, %swap3A_55] {strides = array<i32>} : memref<4x128xf32, #tpu.memory_space<vmem>>, vector<1x16xf32>,
    %swap3A_57 = vector.shape_cast %swap3A_56 : vector<1x16xf32> to vector<16xf32>
    %swap3A_58 = vector.shape_cast %broadcast_in_dim3A_3 : vector<16xf32> to vector<1x16xf32>
    tpu.vector_store %arg8[%swap3A_54, %swap3A_55], %swap3A_58 {strides = array<i32>} : memref<4x128xf32, #tpu.memory_space<vmem>>, vector<1x16xf32>,
    %swap3A_59 = arith.constant 1 : i32
    %swap3A_60 = arith.index_cast %swap3A_59 : i32 to index
    %swap3A_61 = arith.constant 16 : index
    %swap3A_62 = tpu.vector_load %arg8[%swap3A_60, %swap3A_61] {strides = array<i32>} : memref<4x128xf32, #tpu.memory_space<vmem>>, vector<1x16xf32>,
    %swap3A_63 = vector.shape_cast %swap3A_62 : vector<1x16xf32> to vector<16xf32>
    %swap3A_64 = vector.shape_cast %broadcast_in_dim3A_3 : vector<16xf32> to vector<1x16xf32>
    tpu.vector_store %arg8[%swap3A_60, %swap3A_61], %swap3A_64 {strides = array<i32>} : memref<4x128xf32, #tpu.memory_space<vmem>>, vector<1x16xf32>,
    %swap3A_65 = arith.constant 1 : i32
    %swap3A_66 = arith.index_cast %swap3A_65 : i32 to index
    %swap3A_67 = arith.constant 32 : index
    %swap3A_68 = tpu.vector_load %arg8[%swap3A_66, %swap3A_67] {strides = array<i32>} : memref<4x128xf32, #tpu.memory_space<vmem>>, vector<1x16xf32>,
    %swap3A_69 = vector.shape_cast %swap3A_68 : vector<1x16xf32> to vector<16xf32>
    %swap3A_70 = vector.shape_cast %broadcast_in_dim3A_3 : vector<16xf32> to vector<1x16xf32>
    tpu.vector_store %arg8[%swap3A_66, %swap3A_67], %swap3A_70 {strides = array<i32>} : memref<4x128xf32, #tpu.memory_space<vmem>>, vector<1x16xf32>,
    %swap3A_71 = arith.constant 1 : i32
    %swap3A_72 = arith.index_cast %swap3A_71 : i32 to index
    %swap3A_73 = arith.constant 48 : index
    %swap3A_74 = tpu.vector_load %arg8[%swap3A_72, %swap3A_73] {strides = array<i32>} : memref<4x128xf32, #tpu.memory_space<vmem>>, vector<1x16xf32>,
    %swap3A_75 = vector.shape_cast %swap3A_74 : vector<1x16xf32> to vector<16xf32>
    %swap3A_76 = vector.shape_cast %broadcast_in_dim3A_3 : vector<16xf32> to vector<1x16xf32>
    tpu.vector_store %arg8[%swap3A_72, %swap3A_73], %swap3A_76 {strides = array<i32>} : memref<4x128xf32, #tpu.memory_space<vmem>>, vector<1x16xf32>,
    %swap3A_77 = arith.constant 1 : i32
    %swap3A_78 = arith.index_cast %swap3A_77 : i32 to index
    %swap3A_79 = arith.constant 64 : index
    %swap3A_80 = tpu.vector_load %arg8[%swap3A_78, %swap3A_79] {strides = array<i32>} : memref<4x128xf32, #tpu.memory_space<vmem>>, vector<1x16xf32>,
    %swap3A_81 = vector.shape_cast %swap3A_80 : vector<1x16xf32> to vector<16xf32>
    %swap3A_82 = vector.shape_cast %broadcast_in_dim3A_3 : vector<16xf32> to vector<1x16xf32>
    tpu.vector_store %arg8[%swap3A_78, %swap3A_79], %swap3A_82 {strides = array<i32>} : memref<4x128xf32, #tpu.memory_space<vmem>>, vector<1x16xf32>,
    %swap3A_83 = arith.constant 1 : i32
    %swap3A_84 = arith.index_cast %swap3A_83 : i32 to index
    %swap3A_85 = arith.constant 80 : index
    %swap3A_86 = tpu.vector_load %arg8[%swap3A_84, %swap3A_85] {strides = array<i32>} : memref<4x128xf32, #tpu.memory_space<vmem>>, vector<1x16xf32>,
    %swap3A_87 = vector.shape_cast %swap3A_86 : vector<1x16xf32> to vector<16xf32>
    %swap3A_88 = vector.shape_cast %broadcast_in_dim3A_3 : vector<16xf32> to vector<1x16xf32>
    tpu.vector_store %arg8[%swap3A_84, %swap3A_85], %swap3A_88 {strides = array<i32>} : memref<4x128xf32, #tpu.memory_space<vmem>>, vector<1x16xf32>,
    %swap3A_89 = arith.constant 1 : i32
    %swap3A_90 = arith.index_cast %swap3A_89 : i32 to index
    %swap3A_91 = arith.constant 96 : index
    %swap3A_92 = tpu.vector_load %arg8[%swap3A_90, %swap3A_91] {strides = array<i32>} : memref<4x128xf32, #tpu.memory_space<vmem>>, vector<1x16xf32>,
    %swap3A_93 = vector.shape_cast %swap3A_92 : vector<1x16xf32> to vector<16xf32>
    %swap3A_94 = vector.shape_cast %broadcast_in_dim3A_3 : vector<16xf32> to vector<1x16xf32>
    tpu.vector_store %arg8[%swap3A_90, %swap3A_91], %swap3A_94 {strides = array<i32>} : memref<4x128xf32, #tpu.memory_space<vmem>>, vector<1x16xf32>,
    %swap3A_95 = arith.constant 1 : i32
    %swap3A_96 = arith.index_cast %swap3A_95 : i32 to index
    %swap3A_97 = arith.constant 112 : index
    %swap3A_98 = tpu.vector_load %arg8[%swap3A_96, %swap3A_97] {strides = array<i32>} : memref<4x128xf32, #tpu.memory_space<vmem>>, vector<1x16xf32>,
    %swap3A_99 = vector.shape_cast %swap3A_98 : vector<1x16xf32> to vector<16xf32>
    %swap3A_100 = vector.shape_cast %broadcast_in_dim3A_3 : vector<16xf32> to vector<1x16xf32>
    tpu.vector_store %arg8[%swap3A_96, %swap3A_97], %swap3A_100 {strides = array<i32>} : memref<4x128xf32, #tpu.memory_space<vmem>>, vector<1x16xf32>,
    %swap3A_101 = arith.constant 2 : i32
    %swap3A_102 = arith.index_cast %swap3A_101 : i32 to index
    %swap3A_103 = arith.constant 0 : index
    %swap3A_104 = tpu.vector_load %arg8[%swap3A_102, %swap3A_103] {strides = array<i32>} : memref<4x128xf32, #tpu.memory_space<vmem>>, vector<1x16xf32>,
    %swap3A_105 = vector.shape_cast %swap3A_104 : vector<1x16xf32> to vector<16xf32>
    %swap3A_106 = vector.shape_cast %broadcast_in_dim3A_3 : vector<16xf32> to vector<1x16xf32>
    tpu.vector_store %arg8[%swap3A_102, %swap3A_103], %swap3A_106 {strides = array<i32>} : memref<4x128xf32, #tpu.memory_space<vmem>>, vector<1x16xf32>,
    %swap3A_107 = arith.constant 2 : i32
    %swap3A_108 = arith.index_cast %swap3A_107 : i32 to index
    %swap3A_109 = arith.constant 16 : index
    %swap3A_110 = tpu.vector_load %arg8[%swap3A_108, %swap3A_109] {strides = array<i32>} : memref<4x128xf32, #tpu.memory_space<vmem>>, vector<1x16xf32>,
    %swap3A_111 = vector.shape_cast %swap3A_110 : vector<1x16xf32> to vector<16xf32>
    %swap3A_112 = vector.shape_cast %broadcast_in_dim3A_3 : vector<16xf32> to vector<1x16xf32>
    tpu.vector_store %arg8[%swap3A_108, %swap3A_109], %swap3A_112 {strides = array<i32>} : memref<4x128xf32, #tpu.memory_space<vmem>>, vector<1x16xf32>,
    %swap3A_113 = arith.constant 2 : i32
    %swap3A_114 = arith.index_cast %swap3A_113 : i32 to index
    %swap3A_115 = arith.constant 32 : index
    %swap3A_116 = tpu.vector_load %arg8[%swap3A_114, %swap3A_115] {strides = array<i32>} : memref<4x128xf32, #tpu.memory_space<vmem>>, vector<1x16xf32>,
    %swap3A_117 = vector.shape_cast %swap3A_116 : vector<1x16xf32> to vector<16xf32>
    %swap3A_118 = vector.shape_cast %broadcast_in_dim3A_3 : vector<16xf32> to vector<1x16xf32>
    tpu.vector_store %arg8[%swap3A_114, %swap3A_115], %swap3A_118 {strides = array<i32>} : memref<4x128xf32, #tpu.memory_space<vmem>>, vector<1x16xf32>,
    %swap3A_119 = arith.constant 2 : i32
    %swap3A_120 = arith.index_cast %swap3A_119 : i32 to index
    %swap3A_121 = arith.constant 48 : index
    %swap3A_122 = tpu.vector_load %arg8[%swap3A_120, %swap3A_121] {strides = array<i32>} : memref<4x128xf32, #tpu.memory_space<vmem>>, vector<1x16xf32>,
    %swap3A_123 = vector.shape_cast %swap3A_122 : vector<1x16xf32> to vector<16xf32>
    %swap3A_124 = vector.shape_cast %broadcast_in_dim3A_3 : vector<16xf32> to vector<1x16xf32>
    tpu.vector_store %arg8[%swap3A_120, %swap3A_121], %swap3A_124 {strides = array<i32>} : memref<4x128xf32, #tpu.memory_space<vmem>>, vector<1x16xf32>,
    %swap3A_125 = arith.constant 2 : i32
    %swap3A_126 = arith.index_cast %swap3A_125 : i32 to index
    %swap3A_127 = arith.constant 64 : index
    %swap3A_128 = tpu.vector_load %arg8[%swap3A_126, %swap3A_127] {strides = array<i32>} : memref<4x128xf32, #tpu.memory_space<vmem>>, vector<1x16xf32>,
    %swap3A_129 = vector.shape_cast %swap3A_128 : vector<1x16xf32> to vector<16xf32>
    %swap3A_130 = vector.shape_cast %broadcast_in_dim3A_3 : vector<16xf32> to vector<1x16xf32>
    tpu.vector_store %arg8[%swap3A_126, %swap3A_127], %swap3A_130 {strides = array<i32>} : memref<4x128xf32, #tpu.memory_space<vmem>>, vector<1x16xf32>,
    %swap3A_131 = arith.constant 2 : i32
    %swap3A_132 = arith.index_cast %swap3A_131 : i32 to index
    %swap3A_133 = arith.constant 80 : index
    %swap3A_134 = tpu.vector_load %arg8[%swap3A_132, %swap3A_133] {strides = array<i32>} : memref<4x128xf32, #tpu.memory_space<vmem>>, vector<1x16xf32>,
    %swap3A_135 = vector.shape_cast %swap3A_134 : vector<1x16xf32> to vector<16xf32>
    %swap3A_136 = vector.shape_cast %broadcast_in_dim3A_3 : vector<16xf32> to vector<1x16xf32>
    tpu.vector_store %arg8[%swap3A_132, %swap3A_133], %swap3A_136 {strides = array<i32>} : memref<4x128xf32, #tpu.memory_space<vmem>>, vector<1x16xf32>,
    %swap3A_137 = arith.constant 2 : i32
    %swap3A_138 = arith.index_cast %swap3A_137 : i32 to index
    %swap3A_139 = arith.constant 96 : index
    %swap3A_140 = tpu.vector_load %arg8[%swap3A_138, %swap3A_139] {strides = array<i32>} : memref<4x128xf32, #tpu.memory_space<vmem>>, vector<1x16xf32>,
    %swap3A_141 = vector.shape_cast %swap3A_140 : vector<1x16xf32> to vector<16xf32>
    %swap3A_142 = vector.shape_cast %broadcast_in_dim3A_3 : vector<16xf32> to vector<1x16xf32>
    tpu.vector_store %arg8[%swap3A_138, %swap3A_139], %swap3A_142 {strides = array<i32>} : memref<4x128xf32, #tpu.memory_space<vmem>>, vector<1x16xf32>,
    %swap3A_143 = arith.constant 2 : i32
    %swap3A_144 = arith.index_cast %swap3A_143 : i32 to index
    %swap3A_145 = arith.constant 112 : index
    %swap3A_146 = tpu.vector_load %arg8[%swap3A_144, %swap3A_145] {strides = array<i32>} : memref<4x128xf32, #tpu.memory_space<vmem>>, vector<1x16xf32>,
    %swap3A_147 = vector.shape_cast %swap3A_146 : vector<1x16xf32> to vector<16xf32>
    %swap3A_148 = vector.shape_cast %broadcast_in_dim3A_3 : vector<16xf32> to vector<1x16xf32>
    tpu.vector_store %arg8[%swap3A_144, %swap3A_145], %swap3A_148 {strides = array<i32>} : memref<4x128xf32, #tpu.memory_space<vmem>>, vector<1x16xf32>,
    %swap3A_149 = arith.constant 3 : i32
    %swap3A_150 = arith.index_cast %swap3A_149 : i32 to index
    %swap3A_151 = arith.constant 0 : index
    %swap3A_152 = tpu.vector_load %arg8[%swap3A_150, %swap3A_151] {strides = array<i32>} : memref<4x128xf32, #tpu.memory_space<vmem>>, vector<1x16xf32>,
    %swap3A_153 = vector.shape_cast %swap3A_152 : vector<1x16xf32> to vector<16xf32>
    %swap3A_154 = vector.shape_cast %broadcast_in_dim3A_3 : vector<16xf32> to vector<1x16xf32>
    tpu.vector_store %arg8[%swap3A_150, %swap3A_151], %swap3A_154 {strides = array<i32>} : memref<4x128xf32, #tpu.memory_space<vmem>>, vector<1x16xf32>,
    %swap3A_155 = arith.constant 3 : i32
    %swap3A_156 = arith.index_cast %swap3A_155 : i32 to index
    %swap3A_157 = arith.constant 16 : index
    %swap3A_158 = tpu.vector_load %arg8[%swap3A_156, %swap3A_157] {strides = array<i32>} : memref<4x128xf32, #tpu.memory_space<vmem>>, vector<1x16xf32>,
    %swap3A_159 = vector.shape_cast %swap3A_158 : vector<1x16xf32> to vector<16xf32>
    %swap3A_160 = vector.shape_cast %broadcast_in_dim3A_3 : vector<16xf32> to vector<1x16xf32>
    tpu.vector_store %arg8[%swap3A_156, %swap3A_157], %swap3A_160 {strides = array<i32>} : memref<4x128xf32, #tpu.memory_space<vmem>>, vector<1x16xf32>,
    %swap3A_161 = arith.constant 3 : i32
    %swap3A_162 = arith.index_cast %swap3A_161 : i32 to index
    %swap3A_163 = arith.constant 32 : index
    %swap3A_164 = tpu.vector_load %arg8[%swap3A_162, %swap3A_163] {strides = array<i32>} : memref<4x128xf32, #tpu.memory_space<vmem>>, vector<1x16xf32>,
    %swap3A_165 = vector.shape_cast %swap3A_164 : vector<1x16xf32> to vector<16xf32>
    %swap3A_166 = vector.shape_cast %broadcast_in_dim3A_3 : vector<16xf32> to vector<1x16xf32>
    tpu.vector_store %arg8[%swap3A_162, %swap3A_163], %swap3A_166 {strides = array<i32>} : memref<4x128xf32, #tpu.memory_space<vmem>>, vector<1x16xf32>,
    %swap3A_167 = arith.constant 3 : i32
    %swap3A_168 = arith.index_cast %swap3A_167 : i32 to index
    %swap3A_169 = arith.constant 48 : index
    %swap3A_170 = tpu.vector_load %arg8[%swap3A_168, %swap3A_169] {strides = array<i32>} : memref<4x128xf32, #tpu.memory_space<vmem>>, vector<1x16xf32>,
    %swap3A_171 = vector.shape_cast %swap3A_170 : vector<1x16xf32> to vector<16xf32>
    %swap3A_172 = vector.shape_cast %broadcast_in_dim3A_3 : vector<16xf32> to vector<1x16xf32>
    tpu.vector_store %arg8[%swap3A_168, %swap3A_169], %swap3A_172 {strides = array<i32>} : memref<4x128xf32, #tpu.memory_space<vmem>>, vector<1x16xf32>,
    %swap3A_173 = arith.constant 3 : i32
    %swap3A_174 = arith.index_cast %swap3A_173 : i32 to index
    %swap3A_175 = arith.constant 64 : index
    %swap3A_176 = tpu.vector_load %arg8[%swap3A_174, %swap3A_175] {strides = array<i32>} : memref<4x128xf32, #tpu.memory_space<vmem>>, vector<1x16xf32>,
    %swap3A_177 = vector.shape_cast %swap3A_176 : vector<1x16xf32> to vector<16xf32>
    %swap3A_178 = vector.shape_cast %broadcast_in_dim3A_3 : vector<16xf32> to vector<1x16xf32>
    tpu.vector_store %arg8[%swap3A_174, %swap3A_175], %swap3A_178 {strides = array<i32>} : memref<4x128xf32, #tpu.memory_space<vmem>>, vector<1x16xf32>,
    %swap3A_179 = arith.constant 3 : i32
    %swap3A_180 = arith.index_cast %swap3A_179 : i32 to index
    %swap3A_181 = arith.constant 80 : index
    %swap3A_182 = tpu.vector_load %arg8[%swap3A_180, %swap3A_181] {strides = array<i32>} : memref<4x128xf32, #tpu.memory_space<vmem>>, vector<1x16xf32>,
    %swap3A_183 = vector.shape_cast %swap3A_182 : vector<1x16xf32> to vector<16xf32>
    %swap3A_184 = vector.shape_cast %broadcast_in_dim3A_3 : vector<16xf32> to vector<1x16xf32>
    tpu.vector_store %arg8[%swap3A_180, %swap3A_181], %swap3A_184 {strides = array<i32>} : memref<4x128xf32, #tpu.memory_space<vmem>>, vector<1x16xf32>,
    %swap3A_185 = arith.constant 3 : i32
    %swap3A_186 = arith.index_cast %swap3A_185 : i32 to index
    %swap3A_187 = arith.constant 96 : index
    %swap3A_188 = tpu.vector_load %arg8[%swap3A_186, %swap3A_187] {strides = array<i32>} : memref<4x128xf32, #tpu.memory_space<vmem>>, vector<1x16xf32>,
    %swap3A_189 = vector.shape_cast %swap3A_188 : vector<1x16xf32> to vector<16xf32>
    %swap3A_190 = vector.shape_cast %broadcast_in_dim3A_3 : vector<16xf32> to vector<1x16xf32>
    tpu.vector_store %arg8[%swap3A_186, %swap3A_187], %swap3A_190 {strides = array<i32>} : memref<4x128xf32, #tpu.memory_space<vmem>>, vector<1x16xf32>,
    %swap3A_191 = arith.constant 3 : i32
    %swap3A_192 = arith.index_cast %swap3A_191 : i32 to index
    %swap3A_193 = arith.constant 112 : index
    %swap3A_194 = tpu.vector_load %arg8[%swap3A_192, %swap3A_193] {strides = array<i32>} : memref<4x128xf32, #tpu.memory_space<vmem>>, vector<1x16xf32>,
    %swap3A_195 = vector.shape_cast %swap3A_194 : vector<1x16xf32> to vector<16xf32>
    %swap3A_196 = vector.shape_cast %broadcast_in_dim3A_3 : vector<16xf32> to vector<1x16xf32>
    tpu.vector_store %arg8[%swap3A_192, %swap3A_193], %swap3A_196 {strides = array<i32>} : memref<4x128xf32, #tpu.memory_space<vmem>>, vector<1x16xf32>,
    %swap3A_197 = arith.constant 0 : index
    %swap3A_198 = tpu.vector_load %arg9[%swap3A_197] {strides = array<i32>} : memref<512xf32, #tpu.memory_space<vmem>>, vector<16xf32>,
    %swap3A_199 = vector.shape_cast %swap3A_198 : vector<16xf32> to vector<16xf32>
    %swap3A_200 = vector.shape_cast %broadcast_in_dim3A_5 : vector<16xf32> to vector<16xf32>
    tpu.vector_store %arg9[%swap3A_197], %swap3A_200 {strides = array<i32>} : memref<512xf32, #tpu.memory_space<vmem>>, vector<16xf32>,
    %swap3A_201 = arith.constant 16 : index
    %swap3A_202 = tpu.vector_load %arg9[%swap3A_201] {strides = array<i32>} : memref<512xf32, #tpu.memory_space<vmem>>, vector<16xf32>,
    %swap3A_203 = vector.shape_cast %swap3A_202 : vector<16xf32> to vector<16xf32>
    %swap3A_204 = vector.shape_cast %broadcast_in_dim3A_5 : vector<16xf32> to vector<16xf32>
    tpu.vector_store %arg9[%swap3A_201], %swap3A_204 {strides = array<i32>} : memref<512xf32, #tpu.memory_space<vmem>>, vector<16xf32>,
    %swap3A_205 = arith.constant 32 : index
    %swap3A_206 = tpu.vector_load %arg9[%swap3A_205] {strides = array<i32>} : memref<512xf32, #tpu.memory_space<vmem>>, vector<16xf32>,
    %swap3A_207 = vector.shape_cast %swap3A_206 : vector<16xf32> to vector<16xf32>
    %swap3A_208 = vector.shape_cast %broadcast_in_dim3A_5 : vector<16xf32> to vector<16xf32>
    tpu.vector_store %arg9[%swap3A_205], %swap3A_208 {strides = array<i32>} : memref<512xf32, #tpu.memory_space<vmem>>, vector<16xf32>,
    %swap3A_209 = arith.constant 48 : index
    %swap3A_210 = tpu.vector_load %arg9[%swap3A_209] {strides = array<i32>} : memref<512xf32, #tpu.memory_space<vmem>>, vector<16xf32>,
    %swap3A_211 = vector.shape_cast %swap3A_210 : vector<16xf32> to vector<16xf32>
    %swap3A_212 = vector.shape_cast %broadcast_in_dim3A_5 : vector<16xf32> to vector<16xf32>
    tpu.vector_store %arg9[%swap3A_209], %swap3A_212 {strides = array<i32>} : memref<512xf32, #tpu.memory_space<vmem>>, vector<16xf32>,
    %swap3A_213 = arith.constant 64 : index
    %swap3A_214 = tpu.vector_load %arg9[%swap3A_213] {strides = array<i32>} : memref<512xf32, #tpu.memory_space<vmem>>, vector<16xf32>,
    %swap3A_215 = vector.shape_cast %swap3A_214 : vector<16xf32> to vector<16xf32>
    %swap3A_216 = vector.shape_cast %broadcast_in_dim3A_5 : vector<16xf32> to vector<16xf32>
    tpu.vector_store %arg9[%swap3A_213], %swap3A_216 {strides = array<i32>} : memref<512xf32, #tpu.memory_space<vmem>>, vector<16xf32>,
    %swap3A_217 = arith.constant 80 : index
    %swap3A_218 = tpu.vector_load %arg9[%swap3A_217] {strides = array<i32>} : memref<512xf32, #tpu.memory_space<vmem>>, vector<16xf32>,
    %swap3A_219 = vector.shape_cast %swap3A_218 : vector<16xf32> to vector<16xf32>
    %swap3A_220 = vector.shape_cast %broadcast_in_dim3A_5 : vector<16xf32> to vector<16xf32>
    tpu.vector_store %arg9[%swap3A_217], %swap3A_220 {strides = array<i32>} : memref<512xf32, #tpu.memory_space<vmem>>, vector<16xf32>,
    %swap3A_221 = arith.constant 96 : index
    %swap3A_222 = tpu.vector_load %arg9[%swap3A_221] {strides = array<i32>} : memref<512xf32, #tpu.memory_space<vmem>>, vector<16xf32>,
    %swap3A_223 = vector.shape_cast %swap3A_222 : vector<16xf32> to vector<16xf32>
    %swap3A_224 = vector.shape_cast %broadcast_in_dim3A_5 : vector<16xf32> to vector<16xf32>
    tpu.vector_store %arg9[%swap3A_221], %swap3A_224 {strides = array<i32>} : memref<512xf32, #tpu.memory_space<vmem>>, vector<16xf32>,
    %swap3A_225 = arith.constant 112 : index
    %swap3A_226 = tpu.vector_load %arg9[%swap3A_225] {strides = array<i32>} : memref<512xf32, #tpu.memory_space<vmem>>, vector<16xf32>,
    %swap3A_227 = vector.shape_cast %swap3A_226 : vector<16xf32> to vector<16xf32>
    %swap3A_228 = vector.shape_cast %broadcast_in_dim3A_5 : vector<16xf32> to vector<16xf32>
    tpu.vector_store %arg9[%swap3A_225], %swap3A_228 {strides = array<i32>} : memref<512xf32, #tpu.memory_space<vmem>>, vector<16xf32>,
    %swap3A_229 = arith.constant 128 : index
    %swap3A_230 = tpu.vector_load %arg9[%swap3A_229] {strides = array<i32>} : memref<512xf32, #tpu.memory_space<vmem>>, vector<16xf32>,
    %swap3A_231 = vector.shape_cast %swap3A_230 : vector<16xf32> to vector<16xf32>
    %swap3A_232 = vector.shape_cast %broadcast_in_dim3A_5 : vector<16xf32> to vector<16xf32>
    tpu.vector_store %arg9[%swap3A_229], %swap3A_232 {strides = array<i32>} : memref<512xf32, #tpu.memory_space<vmem>>, vector<16xf32>,
    %swap3A_233 = arith.constant 144 : index
    %swap3A_234 = tpu.vector_load %arg9[%swap3A_233] {strides = array<i32>} : memref<512xf32, #tpu.memory_space<vmem>>, vector<16xf32>,
    %swap3A_235 = vector.shape_cast %swap3A_234 : vector<16xf32> to vector<16xf32>
    %swap3A_236 = vector.shape_cast %broadcast_in_dim3A_5 : vector<16xf32> to vector<16xf32>
    tpu.vector_store %arg9[%swap3A_233], %swap3A_236 {strides = array<i32>} : memref<512xf32, #tpu.memory_space<vmem>>, vector<16xf32>,
    %swap3A_237 = arith.constant 160 : index
    %swap3A_238 = tpu.vector_load %arg9[%swap3A_237] {strides = array<i32>} : memref<512xf32, #tpu.memory_space<vmem>>, vector<16xf32>,
    %swap3A_239 = vector.shape_cast %swap3A_238 : vector<16xf32> to vector<16xf32>
    %swap3A_240 = vector.shape_cast %broadcast_in_dim3A_5 : vector<16xf32> to vector<16xf32>
    tpu.vector_store %arg9[%swap3A_237], %swap3A_240 {strides = array<i32>} : memref<512xf32, #tpu.memory_space<vmem>>, vector<16xf32>,
    %swap3A_241 = arith.constant 176 : index
    %swap3A_242 = tpu.vector_load %arg9[%swap3A_241] {strides = array<i32>} : memref<512xf32, #tpu.memory_space<vmem>>, vector<16xf32>,
    %swap3A_243 = vector.shape_cast %swap3A_242 : vector<16xf32> to vector<16xf32>
    %swap3A_244 = vector.shape_cast %broadcast_in_dim3A_5 : vector<16xf32> to vector<16xf32>
    tpu.vector_store %arg9[%swap3A_241], %swap3A_244 {strides = array<i32>} : memref<512xf32, #tpu.memory_space<vmem>>, vector<16xf32>,
    %swap3A_245 = arith.constant 192 : index
    %swap3A_246 = tpu.vector_load %arg9[%swap3A_245] {strides = array<i32>} : memref<512xf32, #tpu.memory_space<vmem>>, vector<16xf32>,
    %swap3A_247 = vector.shape_cast %swap3A_246 : vector<16xf32> to vector<16xf32>
    %swap3A_248 = vector.shape_cast %broadcast_in_dim3A_5 : vector<16xf32> to vector<16xf32>
    tpu.vector_store %arg9[%swap3A_245], %swap3A_248 {strides = array<i32>} : memref<512xf32, #tpu.memory_space<vmem>>, vector<16xf32>,
    %swap3A_249 = arith.constant 208 : index
    %swap3A_250 = tpu.vector_load %arg9[%swap3A_249] {strides = array<i32>} : memref<512xf32, #tpu.memory_space<vmem>>, vector<16xf32>,
    %swap3A_251 = vector.shape_cast %swap3A_250 : vector<16xf32> to vector<16xf32>
    %swap3A_252 = vector.shape_cast %broadcast_in_dim3A_5 : vector<16xf32> to vector<16xf32>
    tpu.vector_store %arg9[%swap3A_249], %swap3A_252 {strides = array<i32>} : memref<512xf32, #tpu.memory_space<vmem>>, vector<16xf32>,
    %swap3A_253 = arith.constant 224 : index
    %swap3A_254 = tpu.vector_load %arg9[%swap3A_253] {strides = array<i32>} : memref<512xf32, #tpu.memory_space<vmem>>, vector<16xf32>,
    %swap3A_255 = vector.shape_cast %swap3A_254 : vector<16xf32> to vector<16xf32>
    %swap3A_256 = vector.shape_cast %broadcast_in_dim3A_5 : vector<16xf32> to vector<16xf32>
    tpu.vector_store %arg9[%swap3A_253], %swap3A_256 {strides = array<i32>} : memref<512xf32, #tpu.memory_space<vmem>>, vector<16xf32>,
    %swap3A_257 = arith.constant 240 : index
    %swap3A_258 = tpu.vector_load %arg9[%swap3A_257] {strides = array<i32>} : memref<512xf32, #tpu.memory_space<vmem>>, vector<16xf32>,
    %swap3A_259 = vector.shape_cast %swap3A_258 : vector<16xf32> to vector<16xf32>
    %swap3A_260 = vector.shape_cast %broadcast_in_dim3A_5 : vector<16xf32> to vector<16xf32>
    tpu.vector_store %arg9[%swap3A_257], %swap3A_260 {strides = array<i32>} : memref<512xf32, #tpu.memory_space<vmem>>, vector<16xf32>,
    %swap3A_261 = arith.constant 256 : index
    %swap3A_262 = tpu.vector_load %arg9[%swap3A_261] {strides = array<i32>} : memref<512xf32, #tpu.memory_space<vmem>>, vector<16xf32>,
    %swap3A_263 = vector.shape_cast %swap3A_262 : vector<16xf32> to vector<16xf32>
    %swap3A_264 = vector.shape_cast %broadcast_in_dim3A_5 : vector<16xf32> to vector<16xf32>
    tpu.vector_store %arg9[%swap3A_261], %swap3A_264 {strides = array<i32>} : memref<512xf32, #tpu.memory_space<vmem>>, vector<16xf32>,
    %swap3A_265 = arith.constant 272 : index
    %swap3A_266 = tpu.vector_load %arg9[%swap3A_265] {strides = array<i32>} : memref<512xf32, #tpu.memory_space<vmem>>, vector<16xf32>,
    %swap3A_267 = vector.shape_cast %swap3A_266 : vector<16xf32> to vector<16xf32>
    %swap3A_268 = vector.shape_cast %broadcast_in_dim3A_5 : vector<16xf32> to vector<16xf32>
    tpu.vector_store %arg9[%swap3A_265], %swap3A_268 {strides = array<i32>} : memref<512xf32, #tpu.memory_space<vmem>>, vector<16xf32>,
    %swap3A_269 = arith.constant 288 : index
    %swap3A_270 = tpu.vector_load %arg9[%swap3A_269] {strides = array<i32>} : memref<512xf32, #tpu.memory_space<vmem>>, vector<16xf32>,
    %swap3A_271 = vector.shape_cast %swap3A_270 : vector<16xf32> to vector<16xf32>
    %swap3A_272 = vector.shape_cast %broadcast_in_dim3A_5 : vector<16xf32> to vector<16xf32>
    tpu.vector_store %arg9[%swap3A_269], %swap3A_272 {strides = array<i32>} : memref<512xf32, #tpu.memory_space<vmem>>, vector<16xf32>,
    %swap3A_273 = arith.constant 304 : index
    %swap3A_274 = tpu.vector_load %arg9[%swap3A_273] {strides = array<i32>} : memref<512xf32, #tpu.memory_space<vmem>>, vector<16xf32>,
    %swap3A_275 = vector.shape_cast %swap3A_274 : vector<16xf32> to vector<16xf32>
    %swap3A_276 = vector.shape_cast %broadcast_in_dim3A_5 : vector<16xf32> to vector<16xf32>
    tpu.vector_store %arg9[%swap3A_273], %swap3A_276 {strides = array<i32>} : memref<512xf32, #tpu.memory_space<vmem>>, vector<16xf32>,
    %swap3A_277 = arith.constant 320 : index
    %swap3A_278 = tpu.vector_load %arg9[%swap3A_277] {strides = array<i32>} : memref<512xf32, #tpu.memory_space<vmem>>, vector<16xf32>,
    %swap3A_279 = vector.shape_cast %swap3A_278 : vector<16xf32> to vector<16xf32>
    %swap3A_280 = vector.shape_cast %broadcast_in_dim3A_5 : vector<16xf32> to vector<16xf32>
    tpu.vector_store %arg9[%swap3A_277], %swap3A_280 {strides = array<i32>} : memref<512xf32, #tpu.memory_space<vmem>>, vector<16xf32>,
    %swap3A_281 = arith.constant 336 : index
    %swap3A_282 = tpu.vector_load %arg9[%swap3A_281] {strides = array<i32>} : memref<512xf32, #tpu.memory_space<vmem>>, vector<16xf32>,
    %swap3A_283 = vector.shape_cast %swap3A_282 : vector<16xf32> to vector<16xf32>
    %swap3A_284 = vector.shape_cast %broadcast_in_dim3A_5 : vector<16xf32> to vector<16xf32>
    tpu.vector_store %arg9[%swap3A_281], %swap3A_284 {strides = array<i32>} : memref<512xf32, #tpu.memory_space<vmem>>, vector<16xf32>,
    %swap3A_285 = arith.constant 352 : index
    %swap3A_286 = tpu.vector_load %arg9[%swap3A_285] {strides = array<i32>} : memref<512xf32, #tpu.memory_space<vmem>>, vector<16xf32>,
    %swap3A_287 = vector.shape_cast %swap3A_286 : vector<16xf32> to vector<16xf32>
    %swap3A_288 = vector.shape_cast %broadcast_in_dim3A_5 : vector<16xf32> to vector<16xf32>
    tpu.vector_store %arg9[%swap3A_285], %swap3A_288 {strides = array<i32>} : memref<512xf32, #tpu.memory_space<vmem>>, vector<16xf32>,
    %swap3A_289 = arith.constant 368 : index
    %swap3A_290 = tpu.vector_load %arg9[%swap3A_289] {strides = array<i32>} : memref<512xf32, #tpu.memory_space<vmem>>, vector<16xf32>,
    %swap3A_291 = vector.shape_cast %swap3A_290 : vector<16xf32> to vector<16xf32>
    %swap3A_292 = vector.shape_cast %broadcast_in_dim3A_5 : vector<16xf32> to vector<16xf32>
    tpu.vector_store %arg9[%swap3A_289], %swap3A_292 {strides = array<i32>} : memref<512xf32, #tpu.memory_space<vmem>>, vector<16xf32>,
    %swap3A_293 = arith.constant 384 : index
    %swap3A_294 = tpu.vector_load %arg9[%swap3A_293] {strides = array<i32>} : memref<512xf32, #tpu.memory_space<vmem>>, vector<16xf32>,
    %swap3A_295 = vector.shape_cast %swap3A_294 : vector<16xf32> to vector<16xf32>
    %swap3A_296 = vector.shape_cast %broadcast_in_dim3A_5 : vector<16xf32> to vector<16xf32>
    tpu.vector_store %arg9[%swap3A_293], %swap3A_296 {strides = array<i32>} : memref<512xf32, #tpu.memory_space<vmem>>, vector<16xf32>,
    %swap3A_297 = arith.constant 400 : index
    %swap3A_298 = tpu.vector_load %arg9[%swap3A_297] {strides = array<i32>} : memref<512xf32, #tpu.memory_space<vmem>>, vector<16xf32>,
    %swap3A_299 = vector.shape_cast %swap3A_298 : vector<16xf32> to vector<16xf32>
    %swap3A_300 = vector.shape_cast %broadcast_in_dim3A_5 : vector<16xf32> to vector<16xf32>
    tpu.vector_store %arg9[%swap3A_297], %swap3A_300 {strides = array<i32>} : memref<512xf32, #tpu.memory_space<vmem>>, vector<16xf32>,
    %swap3A_301 = arith.constant 416 : index
    %swap3A_302 = tpu.vector_load %arg9[%swap3A_301] {strides = array<i32>} : memref<512xf32, #tpu.memory_space<vmem>>, vector<16xf32>,
    %swap3A_303 = vector.shape_cast %swap3A_302 : vector<16xf32> to vector<16xf32>
    %swap3A_304 = vector.shape_cast %broadcast_in_dim3A_5 : vector<16xf32> to vector<16xf32>
    tpu.vector_store %arg9[%swap3A_301], %swap3A_304 {strides = array<i32>} : memref<512xf32, #tpu.memory_space<vmem>>, vector<16xf32>,
    %swap3A_305 = arith.constant 432 : index
    %swap3A_306 = tpu.vector_load %arg9[%swap3A_305] {strides = array<i32>} : memref<512xf32, #tpu.memory_space<vmem>>, vector<16xf32>,
    %swap3A_307 = vector.shape_cast %swap3A_306 : vector<16xf32> to vector<16xf32>
    %swap3A_308 = vector.shape_cast %broadcast_in_dim3A_5 : vector<16xf32> to vector<16xf32>
    tpu.vector_store %arg9[%swap3A_305], %swap3A_308 {strides = array<i32>} : memref<512xf32, #tpu.memory_space<vmem>>, vector<16xf32>,
    %swap3A_309 = arith.constant 448 : index
    %swap3A_310 = tpu.vector_load %arg9[%swap3A_309] {strides = array<i32>} : memref<512xf32, #tpu.memory_space<vmem>>, vector<16xf32>,
    %swap3A_311 = vector.shape_cast %swap3A_310 : vector<16xf32> to vector<16xf32>
    %swap3A_312 = vector.shape_cast %broadcast_in_dim3A_5 : vector<16xf32> to vector<16xf32>
    tpu.vector_store %arg9[%swap3A_309], %swap3A_312 {strides = array<i32>} : memref<512xf32, #tpu.memory_space<vmem>>, vector<16xf32>,
    %swap3A_313 = arith.constant 464 : index
    %swap3A_314 = tpu.vector_load %arg9[%swap3A_313] {strides = array<i32>} : memref<512xf32, #tpu.memory_space<vmem>>, vector<16xf32>,
    %swap3A_315 = vector.shape_cast %swap3A_314 : vector<16xf32> to vector<16xf32>
    %swap3A_316 = vector.shape_cast %broadcast_in_dim3A_5 : vector<16xf32> to vector<16xf32>
    tpu.vector_store %arg9[%swap3A_313], %swap3A_316 {strides = array<i32>} : memref<512xf32, #tpu.memory_space<vmem>>, vector<16xf32>,
    %swap3A_317 = arith.constant 480 : index
    %swap3A_318 = tpu.vector_load %arg9[%swap3A_317] {strides = array<i32>} : memref<512xf32, #tpu.memory_space<vmem>>, vector<16xf32>,
    %swap3A_319 = vector.shape_cast %swap3A_318 : vector<16xf32> to vector<16xf32>
    %swap3A_320 = vector.shape_cast %broadcast_in_dim3A_5 : vector<16xf32> to vector<16xf32>
    tpu.vector_store %arg9[%swap3A_317], %swap3A_320 {strides = array<i32>} : memref<512xf32, #tpu.memory_space<vmem>>, vector<16xf32>,
    %swap3A_321 = arith.constant 496 : index
    %swap3A_322 = tpu.vector_load %arg9[%swap3A_321] {strides = array<i32>} : memref<512xf32, #tpu.memory_space<vmem>>, vector<16xf32>,
    %swap3A_323 = vector.shape_cast %swap3A_322 : vector<16xf32> to vector<16xf32>
    %swap3A_324 = vector.shape_cast %broadcast_in_dim3A_5 : vector<16xf32> to vector<16xf32>
    tpu.vector_store %arg9[%swap3A_321], %swap3A_324 {strides = array<i32>} : memref<512xf32, #tpu.memory_space<vmem>>, vector<16xf32>,
    %mul3A_325 = arith.constant 512 : i32
    %mul3A_326 = arith.muli %arg1, %mul3A_325 : i32
    "tpu.region"() ({
      %run_scoped3A_415 = tpu.sem_alloc : memref<!tpu.dma_semaphore, #tpu.memory_space<semaphore_mem>>
      %dma_start3A_416 = tpu.memref_slice %arg10[%mul3A_326] : memref<8192xf32, #tpu.memory_space<vmem_shared>> -> memref<512xf32, #tpu.memory_space<vmem_shared>>
      %dma_start3A_417 = tpu.memref_slice %arg10[%mul3A_326] : memref<8192xf32, #tpu.memory_space<vmem_shared>> -> memref<512xf32, #tpu.memory_space<vmem_shared>>
      tpu.enqueue_dma source(%arg9 : memref<512xf32, #tpu.memory_space<vmem>>) target(%dma_start3A_417 : memref<512xf32, #tpu.memory_space<vmem_shared>>) target_semaphore(%run_scoped3A_415 : memref<!tpu.dma_semaphore, #tpu.memory_space<semaphore_mem>>)
      %dma_wait3A_418 = tpu.memref_slice %arg10[%mul3A_326] : memref<8192xf32, #tpu.memory_space<vmem_shared>> -> memref<512xf32, #tpu.memory_space<vmem_shared>>
      %dma_wait3A_419 = tpu.memref_slice %arg10[%mul3A_326] : memref<8192xf32, #tpu.memory_space<vmem_shared>> -> memref<512xf32, #tpu.memory_space<vmem_shared>>
      tpu.wait_dma2 semaphore(%run_scoped3A_415 : memref<!tpu.dma_semaphore, #tpu.memory_space<semaphore_mem>>) src(%arg9 : memref<512xf32, #tpu.memory_space<vmem>>) dst(%dma_wait3A_419 : memref<512xf32, #tpu.memory_space<vmem_shared>>)
      tpu.yield
    }) : () -> ()
    %barrier3A = arith.constant 0 : index
    tpu.barrier barrier_id(%barrier3A)
    %dma_start3A = arith.constant 0 : i32
    %dma_start3A_327 = arith.constant 0 : i32
    %dma_start3A_328 = arith.constant 0 : i32
    %dma_start3A_329 = tpu.memref_slice %arg7[%dma_start3A_327, %dma_start3A_328] : memref<512x64xf32, #tpu.memory_space<vmem>> -> memref<128x64xf32, #tpu.memory_space<vmem>>
    %dma_start3A_330 = arith.constant 0 : i32
    %dma_start3A_331 = tpu.memref_slice %arg6[%dma_start3A, %dma_start3A_330] : memref<4x128xi32, #tpu.memory_space<vmem>> -> memref<1x128xi32, #tpu.memory_space<vmem>>
    %dma_start3A_332 = tpu.memref_squeeze %dma_start3A_331 : memref<1x128xi32, #tpu.memory_space<vmem>> -> memref<128xi32, #tpu.memory_space<vmem>>
    %dma_start3A_333 = arith.constant 0 : i32
    %dma_start3A_334 = arith.constant 0 : i32
    %dma_start3A_335 = tpu.memref_slice %arg2[%dma_start3A_333, %dma_start3A_334] : memref<8192x64xf32, #tpu.memory_space<hbm>> -> memref<8192x64xf32, #tpu.memory_space<hbm>>
    tpu.enqueue_indirect_dma source(%dma_start3A_335 : memref<8192x64xf32, #tpu.memory_space<hbm>>) target(%dma_start3A_329 : memref<128x64xf32, #tpu.memory_space<vmem>>) offsets(%dma_start3A_332 : memref<128xi32, #tpu.memory_space<vmem>>) semaphore(%arg11 : memref<!tpu.dma_semaphore, #tpu.memory_space<semaphore_mem>>)
    %dma_start3A_336 = arith.constant 1 : i32
    %dma_start3A_337 = arith.constant 128 : i32
    %dma_start3A_338 = arith.constant 0 : i32
    %dma_start3A_339 = tpu.memref_slice %arg7[%dma_start3A_337, %dma_start3A_338] : memref<512x64xf32, #tpu.memory_space<vmem>> -> memref<128x64xf32, #tpu.memory_space<vmem>>
    %dma_start3A_340 = arith.constant 0 : i32
    %dma_start3A_341 = tpu.memref_slice %arg6[%dma_start3A_336, %dma_start3A_340] : memref<4x128xi32, #tpu.memory_space<vmem>> -> memref<1x128xi32, #tpu.memory_space<vmem>>
    %dma_start3A_342 = tpu.memref_squeeze %dma_start3A_341 : memref<1x128xi32, #tpu.memory_space<vmem>> -> memref<128xi32, #tpu.memory_space<vmem>>
    %dma_start3A_343 = arith.constant 0 : i32
    %dma_start3A_344 = arith.constant 0 : i32
    %dma_start3A_345 = tpu.memref_slice %arg2[%dma_start3A_343, %dma_start3A_344] : memref<8192x64xf32, #tpu.memory_space<hbm>> -> memref<8192x64xf32, #tpu.memory_space<hbm>>
    tpu.enqueue_indirect_dma source(%dma_start3A_345 : memref<8192x64xf32, #tpu.memory_space<hbm>>) target(%dma_start3A_339 : memref<128x64xf32, #tpu.memory_space<vmem>>) offsets(%dma_start3A_342 : memref<128xi32, #tpu.memory_space<vmem>>) semaphore(%arg11 : memref<!tpu.dma_semaphore, #tpu.memory_space<semaphore_mem>>)
    %dma_start3A_346 = arith.constant 2 : i32
    %dma_start3A_347 = arith.constant 256 : i32
    %dma_start3A_348 = arith.constant 0 : i32
    %dma_start3A_349 = tpu.memref_slice %arg7[%dma_start3A_347, %dma_start3A_348] : memref<512x64xf32, #tpu.memory_space<vmem>> -> memref<128x64xf32, #tpu.memory_space<vmem>>
    %dma_start3A_350 = arith.constant 0 : i32
    %dma_start3A_351 = tpu.memref_slice %arg6[%dma_start3A_346, %dma_start3A_350] : memref<4x128xi32, #tpu.memory_space<vmem>> -> memref<1x128xi32, #tpu.memory_space<vmem>>
    %dma_start3A_352 = tpu.memref_squeeze %dma_start3A_351 : memref<1x128xi32, #tpu.memory_space<vmem>> -> memref<128xi32, #tpu.memory_space<vmem>>
    %dma_start3A_353 = arith.constant 0 : i32
    %dma_start3A_354 = arith.constant 0 : i32
    %dma_start3A_355 = tpu.memref_slice %arg2[%dma_start3A_353, %dma_start3A_354] : memref<8192x64xf32, #tpu.memory_space<hbm>> -> memref<8192x64xf32, #tpu.memory_space<hbm>>
    tpu.enqueue_indirect_dma source(%dma_start3A_355 : memref<8192x64xf32, #tpu.memory_space<hbm>>) target(%dma_start3A_349 : memref<128x64xf32, #tpu.memory_space<vmem>>) offsets(%dma_start3A_352 : memref<128xi32, #tpu.memory_space<vmem>>) semaphore(%arg11 : memref<!tpu.dma_semaphore, #tpu.memory_space<semaphore_mem>>)
    %dma_start3A_356 = arith.constant 3 : i32
    %dma_start3A_357 = arith.constant 384 : i32
    %dma_start3A_358 = arith.constant 0 : i32
    %dma_start3A_359 = tpu.memref_slice %arg7[%dma_start3A_357, %dma_start3A_358] : memref<512x64xf32, #tpu.memory_space<vmem>> -> memref<128x64xf32, #tpu.memory_space<vmem>>
    %dma_start3A_360 = arith.constant 0 : i32
    %dma_start3A_361 = tpu.memref_slice %arg6[%dma_start3A_356, %dma_start3A_360] : memref<4x128xi32, #tpu.memory_space<vmem>> -> memref<1x128xi32, #tpu.memory_space<vmem>>
    %dma_start3A_362 = tpu.memref_squeeze %dma_start3A_361 : memref<1x128xi32, #tpu.memory_space<vmem>> -> memref<128xi32, #tpu.memory_space<vmem>>
    %dma_start3A_363 = arith.constant 0 : i32
    %dma_start3A_364 = arith.constant 0 : i32
    %dma_start3A_365 = tpu.memref_slice %arg2[%dma_start3A_363, %dma_start3A_364] : memref<8192x64xf32, #tpu.memory_space<hbm>> -> memref<8192x64xf32, #tpu.memory_space<hbm>>
    tpu.enqueue_indirect_dma source(%dma_start3A_365 : memref<8192x64xf32, #tpu.memory_space<hbm>>) target(%dma_start3A_359 : memref<128x64xf32, #tpu.memory_space<vmem>>) offsets(%dma_start3A_362 : memref<128xi32, #tpu.memory_space<vmem>>) semaphore(%arg11 : memref<!tpu.dma_semaphore, #tpu.memory_space<semaphore_mem>>)
    %run_scoped3A = arith.constant 0 : i32
    %run_scoped3A_366 = arith.constant 0 : i32
    "tpu.region"() ({
      %run_scoped3A_415 = tpu.sem_alloc : memref<!tpu.dma_semaphore, #tpu.memory_space<semaphore_mem>>
      %dma_start3A_416 = arith.constant 0 : i32
      %dma_start3A_417 = tpu.memref_slice %arg8[%run_scoped3A, %dma_start3A_416] : memref<4x128xf32, #tpu.memory_space<vmem>> -> memref<1x128xf32, #tpu.memory_space<vmem>>
      %dma_start3A_418 = tpu.memref_squeeze %dma_start3A_417 : memref<1x128xf32, #tpu.memory_space<vmem>> -> memref<128xf32, #tpu.memory_space<vmem>>
      %dma_start3A_419 = arith.constant 0 : i32
      %dma_start3A_420 = tpu.memref_slice %arg6[%run_scoped3A_366, %dma_start3A_419] : memref<4x128xi32, #tpu.memory_space<vmem>> -> memref<1x128xi32, #tpu.memory_space<vmem>>
      %dma_start3A_421 = tpu.memref_squeeze %dma_start3A_420 : memref<1x128xi32, #tpu.memory_space<vmem>> -> memref<128xi32, #tpu.memory_space<vmem>>
      %dma_start3A_422 = arith.constant 0 : i32
      %dma_start3A_423 = tpu.memref_slice %arg10[%dma_start3A_422] : memref<8192xf32, #tpu.memory_space<vmem_shared>> -> memref<8192xf32, #tpu.memory_space<vmem_shared>>
      tpu.enqueue_indirect_dma source(%dma_start3A_418 : memref<128xf32, #tpu.memory_space<vmem>>) target(%dma_start3A_423 : memref<8192xf32, #tpu.memory_space<vmem_shared>>) offsets(%dma_start3A_421 : memref<128xi32, #tpu.memory_space<vmem>>) semaphore(%run_scoped3A_415 : memref<!tpu.dma_semaphore, #tpu.memory_space<semaphore_mem>>) {add = true}
      %dma_wait3A_424 = arith.constant 0 : i32
      %dma_wait3A_425 = tpu.memref_slice %arg8[%run_scoped3A, %dma_wait3A_424] : memref<4x128xf32, #tpu.memory_space<vmem>> -> memref<1x128xf32, #tpu.memory_space<vmem>>
      %dma_wait3A_426 = tpu.memref_squeeze %dma_wait3A_425 : memref<1x128xf32, #tpu.memory_space<vmem>> -> memref<128xf32, #tpu.memory_space<vmem>>
      %dma_wait3A_427 = arith.constant 0 : i32
      %dma_wait3A_428 = tpu.memref_slice %arg6[%run_scoped3A_366, %dma_wait3A_427] : memref<4x128xi32, #tpu.memory_space<vmem>> -> memref<1x128xi32, #tpu.memory_space<vmem>>
      %dma_wait3A_429 = tpu.memref_squeeze %dma_wait3A_428 : memref<1x128xi32, #tpu.memory_space<vmem>> -> memref<128xi32, #tpu.memory_space<vmem>>
      %dma_wait3A_430 = arith.constant 0 : i32
      %dma_wait3A_431 = tpu.memref_slice %arg10[%dma_wait3A_430] : memref<8192xf32, #tpu.memory_space<vmem_shared>> -> memref<8192xf32, #tpu.memory_space<vmem_shared>>
      tpu.wait_indirect_dma semaphore(%run_scoped3A_415 : memref<!tpu.dma_semaphore, #tpu.memory_space<semaphore_mem>>) src(%dma_wait3A_426 : memref<128xf32, #tpu.memory_space<vmem>>) dst(%dma_wait3A_431 : memref<8192xf32, #tpu.memory_space<vmem_shared>>)
      tpu.yield
    }) : () -> ()
    %run_scoped3A_367 = arith.constant 1 : i32
    %run_scoped3A_368 = arith.constant 1 : i32
    "tpu.region"() ({
      %run_scoped3A_415 = tpu.sem_alloc : memref<!tpu.dma_semaphore, #tpu.memory_space<semaphore_mem>>
      %dma_start3A_416 = arith.constant 0 : i32
      %dma_start3A_417 = tpu.memref_slice %arg8[%run_scoped3A_367, %dma_start3A_416] : memref<4x128xf32, #tpu.memory_space<vmem>> -> memref<1x128xf32, #tpu.memory_space<vmem>>
      %dma_start3A_418 = tpu.memref_squeeze %dma_start3A_417 : memref<1x128xf32, #tpu.memory_space<vmem>> -> memref<128xf32, #tpu.memory_space<vmem>>
      %dma_start3A_419 = arith.constant 0 : i32
      %dma_start3A_420 = tpu.memref_slice %arg6[%run_scoped3A_368, %dma_start3A_419] : memref<4x128xi32, #tpu.memory_space<vmem>> -> memref<1x128xi32, #tpu.memory_space<vmem>>
      %dma_start3A_421 = tpu.memref_squeeze %dma_start3A_420 : memref<1x128xi32, #tpu.memory_space<vmem>> -> memref<128xi32, #tpu.memory_space<vmem>>
      %dma_start3A_422 = arith.constant 0 : i32
      %dma_start3A_423 = tpu.memref_slice %arg10[%dma_start3A_422] : memref<8192xf32, #tpu.memory_space<vmem_shared>> -> memref<8192xf32, #tpu.memory_space<vmem_shared>>
      tpu.enqueue_indirect_dma source(%dma_start3A_418 : memref<128xf32, #tpu.memory_space<vmem>>) target(%dma_start3A_423 : memref<8192xf32, #tpu.memory_space<vmem_shared>>) offsets(%dma_start3A_421 : memref<128xi32, #tpu.memory_space<vmem>>) semaphore(%run_scoped3A_415 : memref<!tpu.dma_semaphore, #tpu.memory_space<semaphore_mem>>) {add = true}
      %dma_wait3A_424 = arith.constant 0 : i32
      %dma_wait3A_425 = tpu.memref_slice %arg8[%run_scoped3A_367, %dma_wait3A_424] : memref<4x128xf32, #tpu.memory_space<vmem>> -> memref<1x128xf32, #tpu.memory_space<vmem>>
      %dma_wait3A_426 = tpu.memref_squeeze %dma_wait3A_425 : memref<1x128xf32, #tpu.memory_space<vmem>> -> memref<128xf32, #tpu.memory_space<vmem>>
      %dma_wait3A_427 = arith.constant 0 : i32
      %dma_wait3A_428 = tpu.memref_slice %arg6[%run_scoped3A_368, %dma_wait3A_427] : memref<4x128xi32, #tpu.memory_space<vmem>> -> memref<1x128xi32, #tpu.memory_space<vmem>>
      %dma_wait3A_429 = tpu.memref_squeeze %dma_wait3A_428 : memref<1x128xi32, #tpu.memory_space<vmem>> -> memref<128xi32, #tpu.memory_space<vmem>>
      %dma_wait3A_430 = arith.constant 0 : i32
      %dma_wait3A_431 = tpu.memref_slice %arg10[%dma_wait3A_430] : memref<8192xf32, #tpu.memory_space<vmem_shared>> -> memref<8192xf32, #tpu.memory_space<vmem_shared>>
      tpu.wait_indirect_dma semaphore(%run_scoped3A_415 : memref<!tpu.dma_semaphore, #tpu.memory_space<semaphore_mem>>) src(%dma_wait3A_426 : memref<128xf32, #tpu.memory_space<vmem>>) dst(%dma_wait3A_431 : memref<8192xf32, #tpu.memory_space<vmem_shared>>)
      tpu.yield
    }) : () -> ()
    %run_scoped3A_369 = arith.constant 2 : i32
    %run_scoped3A_370 = arith.constant 2 : i32
    "tpu.region"() ({
      %run_scoped3A_415 = tpu.sem_alloc : memref<!tpu.dma_semaphore, #tpu.memory_space<semaphore_mem>>
      %dma_start3A_416 = arith.constant 0 : i32
      %dma_start3A_417 = tpu.memref_slice %arg8[%run_scoped3A_369, %dma_start3A_416] : memref<4x128xf32, #tpu.memory_space<vmem>> -> memref<1x128xf32, #tpu.memory_space<vmem>>
      %dma_start3A_418 = tpu.memref_squeeze %dma_start3A_417 : memref<1x128xf32, #tpu.memory_space<vmem>> -> memref<128xf32, #tpu.memory_space<vmem>>
      %dma_start3A_419 = arith.constant 0 : i32
      %dma_start3A_420 = tpu.memref_slice %arg6[%run_scoped3A_370, %dma_start3A_419] : memref<4x128xi32, #tpu.memory_space<vmem>> -> memref<1x128xi32, #tpu.memory_space<vmem>>
      %dma_start3A_421 = tpu.memref_squeeze %dma_start3A_420 : memref<1x128xi32, #tpu.memory_space<vmem>> -> memref<128xi32, #tpu.memory_space<vmem>>
      %dma_start3A_422 = arith.constant 0 : i32
      %dma_start3A_423 = tpu.memref_slice %arg10[%dma_start3A_422] : memref<8192xf32, #tpu.memory_space<vmem_shared>> -> memref<8192xf32, #tpu.memory_space<vmem_shared>>
      tpu.enqueue_indirect_dma source(%dma_start3A_418 : memref<128xf32, #tpu.memory_space<vmem>>) target(%dma_start3A_423 : memref<8192xf32, #tpu.memory_space<vmem_shared>>) offsets(%dma_start3A_421 : memref<128xi32, #tpu.memory_space<vmem>>) semaphore(%run_scoped3A_415 : memref<!tpu.dma_semaphore, #tpu.memory_space<semaphore_mem>>) {add = true}
      %dma_wait3A_424 = arith.constant 0 : i32
      %dma_wait3A_425 = tpu.memref_slice %arg8[%run_scoped3A_369, %dma_wait3A_424] : memref<4x128xf32, #tpu.memory_space<vmem>> -> memref<1x128xf32, #tpu.memory_space<vmem>>
      %dma_wait3A_426 = tpu.memref_squeeze %dma_wait3A_425 : memref<1x128xf32, #tpu.memory_space<vmem>> -> memref<128xf32, #tpu.memory_space<vmem>>
      %dma_wait3A_427 = arith.constant 0 : i32
      %dma_wait3A_428 = tpu.memref_slice %arg6[%run_scoped3A_370, %dma_wait3A_427] : memref<4x128xi32, #tpu.memory_space<vmem>> -> memref<1x128xi32, #tpu.memory_space<vmem>>
      %dma_wait3A_429 = tpu.memref_squeeze %dma_wait3A_428 : memref<1x128xi32, #tpu.memory_space<vmem>> -> memref<128xi32, #tpu.memory_space<vmem>>
      %dma_wait3A_430 = arith.constant 0 : i32
      %dma_wait3A_431 = tpu.memref_slice %arg10[%dma_wait3A_430] : memref<8192xf32, #tpu.memory_space<vmem_shared>> -> memref<8192xf32, #tpu.memory_space<vmem_shared>>
      tpu.wait_indirect_dma semaphore(%run_scoped3A_415 : memref<!tpu.dma_semaphore, #tpu.memory_space<semaphore_mem>>) src(%dma_wait3A_426 : memref<128xf32, #tpu.memory_space<vmem>>) dst(%dma_wait3A_431 : memref<8192xf32, #tpu.memory_space<vmem_shared>>)
      tpu.yield
    }) : () -> ()
    %run_scoped3A_371 = arith.constant 3 : i32
    %run_scoped3A_372 = arith.constant 3 : i32
    "tpu.region"() ({
      %run_scoped3A_415 = tpu.sem_alloc : memref<!tpu.dma_semaphore, #tpu.memory_space<semaphore_mem>>
      %dma_start3A_416 = arith.constant 0 : i32
      %dma_start3A_417 = tpu.memref_slice %arg8[%run_scoped3A_371, %dma_start3A_416] : memref<4x128xf32, #tpu.memory_space<vmem>> -> memref<1x128xf32, #tpu.memory_space<vmem>>
      %dma_start3A_418 = tpu.memref_squeeze %dma_start3A_417 : memref<1x128xf32, #tpu.memory_space<vmem>> -> memref<128xf32, #tpu.memory_space<vmem>>
      %dma_start3A_419 = arith.constant 0 : i32
      %dma_start3A_420 = tpu.memref_slice %arg6[%run_scoped3A_372, %dma_start3A_419] : memref<4x128xi32, #tpu.memory_space<vmem>> -> memref<1x128xi32, #tpu.memory_space<vmem>>
      %dma_start3A_421 = tpu.memref_squeeze %dma_start3A_420 : memref<1x128xi32, #tpu.memory_space<vmem>> -> memref<128xi32, #tpu.memory_space<vmem>>
      %dma_start3A_422 = arith.constant 0 : i32
      %dma_start3A_423 = tpu.memref_slice %arg10[%dma_start3A_422] : memref<8192xf32, #tpu.memory_space<vmem_shared>> -> memref<8192xf32, #tpu.memory_space<vmem_shared>>
      tpu.enqueue_indirect_dma source(%dma_start3A_418 : memref<128xf32, #tpu.memory_space<vmem>>) target(%dma_start3A_423 : memref<8192xf32, #tpu.memory_space<vmem_shared>>) offsets(%dma_start3A_421 : memref<128xi32, #tpu.memory_space<vmem>>) semaphore(%run_scoped3A_415 : memref<!tpu.dma_semaphore, #tpu.memory_space<semaphore_mem>>) {add = true}
      %dma_wait3A_424 = arith.constant 0 : i32
      %dma_wait3A_425 = tpu.memref_slice %arg8[%run_scoped3A_371, %dma_wait3A_424] : memref<4x128xf32, #tpu.memory_space<vmem>> -> memref<1x128xf32, #tpu.memory_space<vmem>>
      %dma_wait3A_426 = tpu.memref_squeeze %dma_wait3A_425 : memref<1x128xf32, #tpu.memory_space<vmem>> -> memref<128xf32, #tpu.memory_space<vmem>>
      %dma_wait3A_427 = arith.constant 0 : i32
      %dma_wait3A_428 = tpu.memref_slice %arg6[%run_scoped3A_372, %dma_wait3A_427] : memref<4x128xi32, #tpu.memory_space<vmem>> -> memref<1x128xi32, #tpu.memory_space<vmem>>
      %dma_wait3A_429 = tpu.memref_squeeze %dma_wait3A_428 : memref<1x128xi32, #tpu.memory_space<vmem>> -> memref<128xi32, #tpu.memory_space<vmem>>
      %dma_wait3A_430 = arith.constant 0 : i32
      %dma_wait3A_431 = tpu.memref_slice %arg10[%dma_wait3A_430] : memref<8192xf32, #tpu.memory_space<vmem_shared>> -> memref<8192xf32, #tpu.memory_space<vmem_shared>>
      tpu.wait_indirect_dma semaphore(%run_scoped3A_415 : memref<!tpu.dma_semaphore, #tpu.memory_space<semaphore_mem>>) src(%dma_wait3A_426 : memref<128xf32, #tpu.memory_space<vmem>>) dst(%dma_wait3A_431 : memref<8192xf32, #tpu.memory_space<vmem_shared>>)
      tpu.yield
    }) : () -> ()
    %dma_wait3A = arith.constant 0 : i32
    %dma_wait3A_373 = arith.constant 0 : i32
    %dma_wait3A_374 = arith.constant 0 : i32
    %dma_wait3A_375 = tpu.memref_slice %arg7[%dma_wait3A_373, %dma_wait3A_374] : memref<512x64xf32, #tpu.memory_space<vmem>> -> memref<128x64xf32, #tpu.memory_space<vmem>>
    %dma_wait3A_376 = arith.constant 0 : i32
    %dma_wait3A_377 = tpu.memref_slice %arg6[%dma_wait3A, %dma_wait3A_376] : memref<4x128xi32, #tpu.memory_space<vmem>> -> memref<1x128xi32, #tpu.memory_space<vmem>>
    %dma_wait3A_378 = tpu.memref_squeeze %dma_wait3A_377 : memref<1x128xi32, #tpu.memory_space<vmem>> -> memref<128xi32, #tpu.memory_space<vmem>>
    %dma_wait3A_379 = arith.constant 0 : i32
    %dma_wait3A_380 = arith.constant 0 : i32
    %dma_wait3A_381 = tpu.memref_slice %arg2[%dma_wait3A_379, %dma_wait3A_380] : memref<8192x64xf32, #tpu.memory_space<hbm>> -> memref<8192x64xf32, #tpu.memory_space<hbm>>
    tpu.wait_indirect_dma semaphore(%arg11 : memref<!tpu.dma_semaphore, #tpu.memory_space<semaphore_mem>>) src(%dma_wait3A_381 : memref<8192x64xf32, #tpu.memory_space<hbm>>) dst(%dma_wait3A_375 : memref<128x64xf32, #tpu.memory_space<vmem>>)
    %dma_wait3A_382 = arith.constant 1 : i32
    %dma_wait3A_383 = arith.constant 128 : i32
    %dma_wait3A_384 = arith.constant 0 : i32
    %dma_wait3A_385 = tpu.memref_slice %arg7[%dma_wait3A_383, %dma_wait3A_384] : memref<512x64xf32, #tpu.memory_space<vmem>> -> memref<128x64xf32, #tpu.memory_space<vmem>>
    %dma_wait3A_386 = arith.constant 0 : i32
    %dma_wait3A_387 = tpu.memref_slice %arg6[%dma_wait3A_382, %dma_wait3A_386] : memref<4x128xi32, #tpu.memory_space<vmem>> -> memref<1x128xi32, #tpu.memory_space<vmem>>
    %dma_wait3A_388 = tpu.memref_squeeze %dma_wait3A_387 : memref<1x128xi32, #tpu.memory_space<vmem>> -> memref<128xi32, #tpu.memory_space<vmem>>
    %dma_wait3A_389 = arith.constant 0 : i32
    %dma_wait3A_390 = arith.constant 0 : i32
    %dma_wait3A_391 = tpu.memref_slice %arg2[%dma_wait3A_389, %dma_wait3A_390] : memref<8192x64xf32, #tpu.memory_space<hbm>> -> memref<8192x64xf32, #tpu.memory_space<hbm>>
    tpu.wait_indirect_dma semaphore(%arg11 : memref<!tpu.dma_semaphore, #tpu.memory_space<semaphore_mem>>) src(%dma_wait3A_391 : memref<8192x64xf32, #tpu.memory_space<hbm>>) dst(%dma_wait3A_385 : memref<128x64xf32, #tpu.memory_space<vmem>>)
    %dma_wait3A_392 = arith.constant 2 : i32
    %dma_wait3A_393 = arith.constant 256 : i32
    %dma_wait3A_394 = arith.constant 0 : i32
    %dma_wait3A_395 = tpu.memref_slice %arg7[%dma_wait3A_393, %dma_wait3A_394] : memref<512x64xf32, #tpu.memory_space<vmem>> -> memref<128x64xf32, #tpu.memory_space<vmem>>
    %dma_wait3A_396 = arith.constant 0 : i32
    %dma_wait3A_397 = tpu.memref_slice %arg6[%dma_wait3A_392, %dma_wait3A_396] : memref<4x128xi32, #tpu.memory_space<vmem>> -> memref<1x128xi32, #tpu.memory_space<vmem>>
    %dma_wait3A_398 = tpu.memref_squeeze %dma_wait3A_397 : memref<1x128xi32, #tpu.memory_space<vmem>> -> memref<128xi32, #tpu.memory_space<vmem>>
    %dma_wait3A_399 = arith.constant 0 : i32
    %dma_wait3A_400 = arith.constant 0 : i32
    %dma_wait3A_401 = tpu.memref_slice %arg2[%dma_wait3A_399, %dma_wait3A_400] : memref<8192x64xf32, #tpu.memory_space<hbm>> -> memref<8192x64xf32, #tpu.memory_space<hbm>>
    tpu.wait_indirect_dma semaphore(%arg11 : memref<!tpu.dma_semaphore, #tpu.memory_space<semaphore_mem>>) src(%dma_wait3A_401 : memref<8192x64xf32, #tpu.memory_space<hbm>>) dst(%dma_wait3A_395 : memref<128x64xf32, #tpu.memory_space<vmem>>)
    %dma_wait3A_402 = arith.constant 3 : i32
    %dma_wait3A_403 = arith.constant 384 : i32
    %dma_wait3A_404 = arith.constant 0 : i32
    %dma_wait3A_405 = tpu.memref_slice %arg7[%dma_wait3A_403, %dma_wait3A_404] : memref<512x64xf32, #tpu.memory_space<vmem>> -> memref<128x64xf32, #tpu.memory_space<vmem>>
    %dma_wait3A_406 = arith.constant 0 : i32
    %dma_wait3A_407 = tpu.memref_slice %arg6[%dma_wait3A_402, %dma_wait3A_406] : memref<4x128xi32, #tpu.memory_space<vmem>> -> memref<1x128xi32, #tpu.memory_space<vmem>>
    %dma_wait3A_408 = tpu.memref_squeeze %dma_wait3A_407 : memref<1x128xi32, #tpu.memory_space<vmem>> -> memref<128xi32, #tpu.memory_space<vmem>>
    %dma_wait3A_409 = arith.constant 0 : i32
    %dma_wait3A_410 = arith.constant 0 : i32
    %dma_wait3A_411 = tpu.memref_slice %arg2[%dma_wait3A_409, %dma_wait3A_410] : memref<8192x64xf32, #tpu.memory_space<hbm>> -> memref<8192x64xf32, #tpu.memory_space<hbm>>
    tpu.wait_indirect_dma semaphore(%arg11 : memref<!tpu.dma_semaphore, #tpu.memory_space<semaphore_mem>>) src(%dma_wait3A_411 : memref<8192x64xf32, #tpu.memory_space<hbm>>) dst(%dma_wait3A_405 : memref<128x64xf32, #tpu.memory_space<vmem>>)
    "tpu.region"() ({
      %run_scoped3A_415 = tpu.sem_alloc : memref<!tpu.dma_semaphore, #tpu.memory_space<semaphore_mem>>
      %dma_start3A_416 = arith.constant 0 : i32
      %dma_start3A_417 = tpu.memref_slice %arg4[%mul3A_2, %dma_start3A_416] : memref<16384x64xf32, #tpu.memory_space<hbm>> -> memref<512x64xf32, #tpu.memory_space<hbm>>
      %dma_start3A_418 = arith.constant 0 : i32
      %dma_start3A_419 = tpu.memref_slice %arg4[%mul3A_2, %dma_start3A_418] : memref<16384x64xf32, #tpu.memory_space<hbm>> -> memref<512x64xf32, #tpu.memory_space<hbm>>
      tpu.enqueue_dma source(%arg7 : memref<512x64xf32, #tpu.memory_space<vmem>>) target(%dma_start3A_419 : memref<512x64xf32, #tpu.memory_space<hbm>>) target_semaphore(%run_scoped3A_415 : memref<!tpu.dma_semaphore, #tpu.memory_space<semaphore_mem>>)
      %dma_wait3A_420 = arith.constant 0 : i32
      %dma_wait3A_421 = tpu.memref_slice %arg4[%mul3A_2, %dma_wait3A_420] : memref<16384x64xf32, #tpu.memory_space<hbm>> -> memref<512x64xf32, #tpu.memory_space<hbm>>
      %dma_wait3A_422 = arith.constant 0 : i32
      %dma_wait3A_423 = tpu.memref_slice %arg4[%mul3A_2, %dma_wait3A_422] : memref<16384x64xf32, #tpu.memory_space<hbm>> -> memref<512x64xf32, #tpu.memory_space<hbm>>
      tpu.wait_dma2 semaphore(%run_scoped3A_415 : memref<!tpu.dma_semaphore, #tpu.memory_space<semaphore_mem>>) src(%arg7 : memref<512x64xf32, #tpu.memory_space<vmem>>) dst(%dma_wait3A_423 : memref<512x64xf32, #tpu.memory_space<hbm>>)
      tpu.yield
    }) : () -> ()
    %barrier3A_412 = arith.constant 0 : index
    tpu.barrier barrier_id(%barrier3A_412)
    %eq3A = arith.constant 0 : i32
    %eq3A_413 = arith.cmpi eq, %arg1, %eq3A : i32
    %convert_element_type3A = arith.extui %eq3A_413 : i1 to i32
    %cond3A = arith.constant 0 : i32
    %cond3A_414 = arith.cmpi ne, %convert_element_type3A, %cond3A : i32
    scf.if %cond3A_414 {
      "tpu.region"() ({
        %run_scoped3A_415 = tpu.sem_alloc : memref<!tpu.dma_semaphore, #tpu.memory_space<semaphore_mem>>
        %dma_start3A_416 = arith.constant 0 : i32
        %dma_start3A_417 = tpu.memref_slice %arg5[%arg0, %dma_start3A_416] : memref<2x8192xf32, #tpu.memory_space<hbm>> -> memref<1x8192xf32, #tpu.memory_space<hbm>>
        %dma_start3A_418 = tpu.memref_squeeze %dma_start3A_417 : memref<1x8192xf32, #tpu.memory_space<hbm>> -> memref<8192xf32, #tpu.memory_space<hbm>>
        tpu.enqueue_dma source(%arg10 : memref<8192xf32, #tpu.memory_space<vmem_shared>>) target(%dma_start3A_418 : memref<8192xf32, #tpu.memory_space<hbm>>) target_semaphore(%run_scoped3A_415 : memref<!tpu.dma_semaphore, #tpu.memory_space<semaphore_mem>>)
        %dma_wait3A_419 = arith.constant 0 : i32
        %dma_wait3A_420 = tpu.memref_slice %arg5[%arg0, %dma_wait3A_419] : memref<2x8192xf32, #tpu.memory_space<hbm>> -> memref<1x8192xf32, #tpu.memory_space<hbm>>
        %dma_wait3A_421 = tpu.memref_squeeze %dma_wait3A_420 : memref<1x8192xf32, #tpu.memory_space<hbm>> -> memref<8192xf32, #tpu.memory_space<hbm>>
        tpu.wait_dma2 semaphore(%run_scoped3A_415 : memref<!tpu.dma_semaphore, #tpu.memory_space<semaphore_mem>>) src(%arg10 : memref<8192xf32, #tpu.memory_space<vmem_shared>>) dst(%dma_wait3A_421 : memref<8192xf32, #tpu.memory_space<hbm>>)
        tpu.yield
      }) : () -> ()
    } else {
    }
    return
  }
}

module attributes {stable_mosaic.version = 14 : i64} {
  func.func @_argmax_body(%arg0: i32, %arg1: memref<512x64xf32, #tpu.memory_space<vmem>>, %arg2: memref<8192x64xf32, #tpu.memory_space<vmem>>, %arg3: memref<512xi32, #tpu.memory_space<vmem>>, %arg4: memref<1x4x128xi32, #tpu.memory_space<vmem>>, %arg5: memref<512x64xf32, #tpu.memory_space<vmem>>, %arg6: memref<8192x64xf32, #tpu.memory_space<vmem>>) attributes {dimension_semantics = [#tpu.dimension_semantics<arbitrary>], iteration_bounds = array<i64: 32>, scalar_prefetch = 0 : i64, scratch_operands = 1 : i64, tpu.core_type = #tpu.core_type<tc>, window_params = [{transform_indices = @transform_0, window_bounds = array<i64: 512, 64>}, {pipeline_mode = #tpu.pipeline_mode<synchronous>, transform_indices = @transform_1, window_bounds = array<i64: 8192, 64>}, {transform_indices = @transform_2, window_bounds = array<i64: 512>}, {transform_indices = @transform_3, window_bounds = array<i64: 1, 4, 128>}, {transform_indices = @transform_4, window_bounds = array<i64: 512, 64>}]} {
    %eq3A = arith.constant 0 : i32
    %eq3A_0 = arith.cmpi eq, %arg0, %eq3A : i32
    %convert_element_type3A = arith.extui %eq3A_0 : i1 to i32
    %cond3A = arith.constant 0 : i32
    %cond3A_1 = arith.cmpi ne, %convert_element_type3A, %cond3A : i32
    scf.if %cond3A_1 {
      %get3A_22 = arith.constant 0 : index
      %get3A_23 = arith.constant 0 : index
      %get3A_24 = vector.load %arg2[%get3A_22, %get3A_23] : memref<8192x64xf32, #tpu.memory_space<vmem>>, vector<8192x64xf32>
      %mul3A_25 = arith.mulf %get3A_24, %get3A_24 : vector<8192x64xf32>
      %reduce_sum3A_26 = arith.constant dense<0.000000e+00> : vector<8192xf32>
      %reduce_sum3A_27 = vector.multi_reduction <add>, %mul3A_25, %reduce_sum3A_26 [1] : vector<8192x64xf32> to vector<8192xf32>
      %broadcast_in_dim3A_28 = vector.shape_cast %reduce_sum3A_27 : vector<8192xf32> to vector<8192x1xf32>
      %sqrt3A_29 = math.sqrt %broadcast_in_dim3A_28 : vector<8192x1xf32>
      %max3A_30 = arith.constant 9.99999996E-13 : f32
      %max3A_31 = vector.broadcast %max3A_30 : f32 to vector<8192x1xf32>
      %max3A_32 = arith.maximumf %sqrt3A_29, %max3A_31 : vector<8192x1xf32>
      %div3A_33 = vector.broadcast %max3A_32 : vector<8192x1xf32> to vector<8192x64xf32>
      %div3A_34 = arith.divf %get3A_24, %div3A_33 : vector<8192x64xf32>
      %swap3A_35 = arith.constant 0 : index
      %swap3A_36 = arith.constant 0 : index
      %swap3A_37 = vector.load %arg6[%swap3A_35, %swap3A_36] : memref<8192x64xf32, #tpu.memory_space<vmem>>, vector<8192x64xf32>
      tpu.vector_store %arg6[%swap3A_35, %swap3A_36], %div3A_34 {strides = array<i32>} : memref<8192x64xf32, #tpu.memory_space<vmem>>, vector<8192x64xf32>,
    } else {
    }
    %get3A = arith.constant 0 : index
    %get3A_2 = arith.constant 0 : index
    %get3A_3 = vector.load %arg1[%get3A, %get3A_2] : memref<512x64xf32, #tpu.memory_space<vmem>>, vector<512x64xf32>
    %mul3A = arith.mulf %get3A_3, %get3A_3 : vector<512x64xf32>
    %reduce_sum3A = arith.constant dense<0.000000e+00> : vector<512xf32>
    %reduce_sum3A_4 = vector.multi_reduction <add>, %mul3A, %reduce_sum3A [1] : vector<512x64xf32> to vector<512xf32>
    %broadcast_in_dim3A = vector.shape_cast %reduce_sum3A_4 : vector<512xf32> to vector<512x1xf32>
    %sqrt3A = math.sqrt %broadcast_in_dim3A : vector<512x1xf32>
    %max3A = arith.constant 9.99999996E-13 : f32
    %max3A_5 = vector.broadcast %max3A : f32 to vector<512x1xf32>
    %max3A_6 = arith.maximumf %sqrt3A, %max3A_5 : vector<512x1xf32>
    %div3A = vector.broadcast %max3A_6 : vector<512x1xf32> to vector<512x64xf32>
    %div3A_7 = arith.divf %get3A_3, %div3A : vector<512x64xf32>
    %swap3A = arith.constant 0 : index
    %swap3A_8 = arith.constant 0 : index
    %swap3A_9 = vector.load %arg5[%swap3A, %swap3A_8] : memref<512x64xf32, #tpu.memory_space<vmem>>, vector<512x64xf32>
    tpu.vector_store %arg5[%swap3A, %swap3A_8], %div3A_7 {strides = array<i32>} : memref<512x64xf32, #tpu.memory_space<vmem>>, vector<512x64xf32>,
    %get3A_10 = arith.constant 0 : index
    %get3A_11 = arith.constant 0 : index
    %get3A_12 = vector.load %arg6[%get3A_10, %get3A_11] : memref<8192x64xf32, #tpu.memory_space<vmem>>, vector<8192x64xf32>
    %dot_general3A = arith.constant dense<0.000000e+00> : vector<512x8192xf32>
    %dot_general3A_13 = tpu.matmul %div3A_7, %get3A_12, %dot_general3A {dimension_numbers = #tpu.dot_dimension_numbers<[1], [1], [0], [0], [0, 0, 1, 0], [], []>, transpose_lhs_hint = false} : vector<512x64xf32>, vector<8192x64xf32>, vector<512x8192xf32> -> vector<512x8192xf32>
    %argmax3A = tpu.reduce_index %dot_general3A_13 {axis = 1 : i32, kind = #tpu.reduction_kind<arg_max>} : vector<512x8192xf32> -> vector<512xi32>
    %swap3A_14 = arith.constant 0 : index
    %swap3A_15 = vector.load %arg3[%swap3A_14] : memref<512xi32, #tpu.memory_space<vmem>>, vector<512xi32>
    tpu.vector_store %arg3[%swap3A_14], %argmax3A {strides = array<i32>} : memref<512xi32, #tpu.memory_space<vmem>>, vector<512xi32>,
    %reshape3A = vector.shape_cast %argmax3A : vector<512xi32> to vector<4x128xi32>
    %swap3A_16 = arith.constant 0 : index
    %swap3A_17 = arith.constant 0 : index
    %swap3A_18 = arith.constant 0 : index
    %swap3A_19 = vector.load %arg4[%swap3A_16, %swap3A_17, %swap3A_18] : memref<1x4x128xi32, #tpu.memory_space<vmem>>, vector<1x4x128xi32>
    %swap3A_20 = vector.shape_cast %swap3A_19 : vector<1x4x128xi32> to vector<4x128xi32>
    %swap3A_21 = vector.shape_cast %reshape3A : vector<4x128xi32> to vector<1x4x128xi32>
    tpu.vector_store %arg4[%swap3A_16, %swap3A_17, %swap3A_18], %swap3A_21 {strides = array<i32>} : memref<1x4x128xi32, #tpu.memory_space<vmem>>, vector<1x4x128xi32>,
    return
  }
  func.func @transform_0(%arg0: i32) -> (i32, i32) {
    %c0_i32 = arith.constant 0 : i32
    %c0_i32_0 = arith.constant 0 : i32
    return %arg0, %c0_i32 : i32, i32
  }
  func.func @transform_1(%arg0: i32) -> (i32, i32) {
    %c0_i32 = arith.constant 0 : i32
    %c0_i32_0 = arith.constant 0 : i32
    %c0_i32_1 = arith.constant 0 : i32
    return %c0_i32, %c0_i32_0 : i32, i32
  }
  func.func @transform_2(%arg0: i32) -> i32 {
    %c0_i32 = arith.constant 0 : i32
    return %arg0 : i32
  }
  func.func @transform_3(%arg0: i32) -> (i32, i32, i32) {
    %c0_i32 = arith.constant 0 : i32
    %c0_i32_0 = arith.constant 0 : i32
    %c0_i32_1 = arith.constant 0 : i32
    return %arg0, %c0_i32, %c0_i32_0 : i32, i32, i32
  }
  func.func @transform_4(%arg0: i32) -> (i32, i32) {
    %c0_i32 = arith.constant 0 : i32
    %c0_i32_0 = arith.constant 0 : i32
    return %arg0, %c0_i32 : i32, i32
  }
}

module attributes {stable_mosaic.version = 14 : i64} {
  func.func @_scalars_body(%arg0: i32, %arg1: memref<2048x64xf32, #tpu.memory_space<vmem>>, %arg2: memref<2048x64xf32, #tpu.memory_space<vmem>>, %arg3: memref<2x8192xf32, #tpu.memory_space<vmem>>, %arg4: memref<4xf32, #tpu.memory_space<smem>>, %arg5: memref<1xf32, #tpu.memory_space<smem>>) attributes {dimension_semantics = [#tpu.dimension_semantics<arbitrary>], iteration_bounds = array<i64: 8>, scalar_prefetch = 0 : i64, scratch_operands = 1 : i64, tpu.core_type = #tpu.core_type<tc>, window_params = [{transform_indices = @transform_0, window_bounds = array<i64: 2048, 64>}, {transform_indices = @transform_1, window_bounds = array<i64: 2048, 64>}, {pipeline_mode = #tpu.pipeline_mode<synchronous>, transform_indices = @transform_2, window_bounds = array<i64: 2, 8192>}, {transform_indices = @transform_3, window_bounds = array<i64: 4>}]} {
    %get3A = arith.constant 0 : index
    %get3A_0 = arith.constant 0 : index
    %get3A_1 = vector.load %arg1[%get3A, %get3A_0] : memref<2048x64xf32, #tpu.memory_space<vmem>>, vector<2048x64xf32>
    %get3A_2 = arith.constant 0 : index
    %get3A_3 = arith.constant 0 : index
    %get3A_4 = vector.load %arg2[%get3A_2, %get3A_3] : memref<2048x64xf32, #tpu.memory_space<vmem>>, vector<2048x64xf32>
    %sub3A = arith.subf %get3A_1, %get3A_4 : vector<2048x64xf32>
    %mul3A = arith.mulf %sub3A, %sub3A : vector<2048x64xf32>
    %reduce_sum3A = vector.shape_cast %mul3A : vector<2048x64xf32> to vector<1x2048x64xf32>
    %reduce_sum3A_5 = arith.constant dense<0.000000e+00> : vector<1xf32>
    %reduce_sum3A_6 = vector.multi_reduction <add>, %reduce_sum3A, %reduce_sum3A_5 [1, 2] : vector<1x2048x64xf32> to vector<1xf32>
    %reduce_sum3A_7 = vector.shape_cast %reduce_sum3A_6 : vector<1xf32> to vector<1x1x1xf32>
    %reduce_sum3A_8 = vector.extract %reduce_sum3A_7[0, 0, 0] : f32 from vector<1x1x1xf32>
    %eq3A = arith.constant 0 : i32
    %eq3A_9 = arith.cmpi eq, %arg0, %eq3A : i32
    %convert_element_type3A = arith.extui %eq3A_9 : i1 to i32
    %cond3A = arith.constant 0 : i32
    %cond3A_10 = arith.cmpi ne, %convert_element_type3A, %cond3A : i32
    scf.if %cond3A_10 {
      %swap3A = arith.constant 0 : index
      %swap3A_20 = memref.load %arg5[%swap3A] : memref<1xf32, #tpu.memory_space<smem>>
      memref.store %reduce_sum3A_8, %arg5[%swap3A] : memref<1xf32, #tpu.memory_space<smem>>
    } else {
    }
    %gt3A = arith.constant 0 : i32
    %gt3A_11 = arith.cmpi sgt, %arg0, %gt3A : i32
    %convert_element_type3A_12 = arith.extui %gt3A_11 : i1 to i32
    %cond3A_13 = arith.constant 0 : i32
    %cond3A_14 = arith.cmpi ne, %convert_element_type3A_12, %cond3A_13 : i32
    scf.if %cond3A_14 {
      %get3A_20 = arith.constant 0 : index
      %get3A_21 = memref.load %arg5[%get3A_20] : memref<1xf32, #tpu.memory_space<smem>>
      %add3A = arith.addf %get3A_21, %reduce_sum3A_8 : f32
      %swap3A = arith.constant 0 : index
      %swap3A_22 = memref.load %arg5[%swap3A] : memref<1xf32, #tpu.memory_space<smem>>
      memref.store %add3A, %arg5[%swap3A] : memref<1xf32, #tpu.memory_space<smem>>
    } else {
    }
    %eq3A_15 = arith.constant 7 : i32
    %eq3A_16 = arith.cmpi eq, %arg0, %eq3A_15 : i32
    %convert_element_type3A_17 = arith.extui %eq3A_16 : i1 to i32
    %cond3A_18 = arith.constant 0 : i32
    %cond3A_19 = arith.cmpi ne, %convert_element_type3A_17, %cond3A_18 : i32
    scf.if %cond3A_19 {
      %get3A_20 = arith.constant 0 : index
      %get3A_21 = memref.load %arg5[%get3A_20] : memref<1xf32, #tpu.memory_space<smem>>
      %div3A = arith.constant 0x49800000 : f32
      %div3A_22 = arith.divf %get3A_21, %div3A : f32
      %get3A_23 = arith.constant 0 : index
      %get3A_24 = arith.constant 0 : index
      %get3A_25 = vector.load %arg3[%get3A_23, %get3A_24] : memref<2x8192xf32, #tpu.memory_space<vmem>>, vector<2x8192xf32>
      %reduce_sum3A_26 = arith.constant dense<0.000000e+00> : vector<8192xf32>
      %reduce_sum3A_27 = vector.multi_reduction <add>, %get3A_25, %reduce_sum3A_26 [0] : vector<2x8192xf32> to vector<8192xf32>
      %mul3A_28 = arith.constant 6.10351563E-5 : f32
      %mul3A_29 = vector.broadcast %mul3A_28 : f32 to vector<8192xf32>
      %mul3A_30 = arith.mulf %reduce_sum3A_27, %mul3A_29 : vector<8192xf32>
      %add3A = arith.constant 1.000000e-10 : f32
      %add3A_31 = vector.broadcast %add3A : f32 to vector<8192xf32>
      %add3A_32 = arith.addf %mul3A_30, %add3A_31 : vector<8192xf32>
      %log3A = math.log %add3A_32 : vector<8192xf32>
      %mul3A_33 = arith.mulf %mul3A_30, %log3A : vector<8192xf32>
      %reduce_sum3A_34 = vector.shape_cast %mul3A_33 : vector<8192xf32> to vector<1x8192xf32>
      %reduce_sum3A_35 = arith.constant dense<0.000000e+00> : vector<1xf32>
      %reduce_sum3A_36 = vector.multi_reduction <add>, %reduce_sum3A_34, %reduce_sum3A_35 [1] : vector<1x8192xf32> to vector<1xf32>
      %reduce_sum3A_37 = vector.shape_cast %reduce_sum3A_36 : vector<1xf32> to vector<1x1xf32>
      %reduce_sum3A_38 = vector.extract %reduce_sum3A_37[0, 0] : f32 from vector<1x1xf32>
      %mul3A_39 = arith.constant 2.500000e-01 : f32
      %mul3A_40 = arith.mulf %mul3A_39, %div3A_22 : f32
      %swap3A = arith.constant 0 : index
      %swap3A_41 = memref.load %arg4[%swap3A] : memref<4xf32, #tpu.memory_space<smem>>
      memref.store %mul3A_40, %arg4[%swap3A] : memref<4xf32, #tpu.memory_space<smem>>
      %swap3A_42 = arith.constant 1 : index
      %swap3A_43 = memref.load %arg4[%swap3A_42] : memref<4xf32, #tpu.memory_space<smem>>
      memref.store %div3A_22, %arg4[%swap3A_42] : memref<4xf32, #tpu.memory_space<smem>>
      %neg3A = arith.constant 0.000000e+00 : f32
      %neg3A_44 = arith.subf %neg3A, %reduce_sum3A_38 : f32
      %exp3A = math.exp %neg3A_44 : f32
      %swap3A_45 = arith.constant 2 : index
      %swap3A_46 = memref.load %arg4[%swap3A_45] : memref<4xf32, #tpu.memory_space<smem>>
      memref.store %exp3A, %arg4[%swap3A_45] : memref<4xf32, #tpu.memory_space<smem>>
      %gt3A_47 = arith.constant 0.000000e+00 : f32
      %gt3A_48 = vector.broadcast %gt3A_47 : f32 to vector<8192xf32>
      %gt3A_49 = arith.cmpf ogt, %reduce_sum3A_27, %gt3A_48 : vector<8192xf32>
      %convert_element_type3A_50 = arith.extui %gt3A_49 : vector<8192xi1> to vector<8192xi32>
      %convert_element_type3A_51 = arith.sitofp %convert_element_type3A_50 : vector<8192xi32> to vector<8192xf32>
      %reduce_sum3A_52 = vector.shape_cast %convert_element_type3A_51 : vector<8192xf32> to vector<1x8192xf32>
      %reduce_sum3A_53 = arith.constant dense<0.000000e+00> : vector<1xf32>
      %reduce_sum3A_54 = vector.multi_reduction <add>, %reduce_sum3A_52, %reduce_sum3A_53 [1] : vector<1x8192xf32> to vector<1xf32>
      %reduce_sum3A_55 = vector.shape_cast %reduce_sum3A_54 : vector<1xf32> to vector<1x1xf32>
      %reduce_sum3A_56 = vector.extract %reduce_sum3A_55[0, 0] : f32 from vector<1x1xf32>
      %mul3A_57 = arith.constant 1.22070313E-4 : f32
      %mul3A_58 = arith.mulf %reduce_sum3A_56, %mul3A_57 : f32
      %swap3A_59 = arith.constant 3 : index
      %swap3A_60 = memref.load %arg4[%swap3A_59] : memref<4xf32, #tpu.memory_space<smem>>
      memref.store %mul3A_58, %arg4[%swap3A_59] : memref<4xf32, #tpu.memory_space<smem>>
    } else {
    }
    return
  }
  func.func @transform_0(%arg0: i32) -> (i32, i32) {
    %c0_i32 = arith.constant 0 : i32
    %c0_i32_0 = arith.constant 0 : i32
    return %arg0, %c0_i32 : i32, i32
  }
  func.func @transform_1(%arg0: i32) -> (i32, i32) {
    %c0_i32 = arith.constant 0 : i32
    %c0_i32_0 = arith.constant 0 : i32
    return %arg0, %c0_i32 : i32, i32
  }
  func.func @transform_2(%arg0: i32) -> (i32, i32) {
    %c0_i32 = arith.constant 0 : i32
    %c0_i32_0 = arith.constant 0 : i32
    %c0_i32_1 = arith.constant 0 : i32
    return %c0_i32, %c0_i32_0 : i32, i32
  }
  func.func @transform_3(%arg0: i32) -> i32 {
    %c0_i32 = arith.constant 0 : i32
    %c0_i32_0 = arith.constant 0 : i32
    return %c0_i32 : i32
  }
}

</mosaic_0001>

<sc_bundles>
// kernel: kernel.5.cloned.1.call-start
scs
__scs_entry_jumppad:
0x0: {  	(pc) =	sbr.rel $0x88, $3  }
0x1: {  	(tag) =	ssettag $0x0;
	lr =	simm.s32 $0x1  }
0x2: {  	[smem:$0x3F9F] =	sst lr;
	_ =	strace $0xD0000000  }
0x3: {  	_ = 	snop  }
0x4: {  	_ = 	snop  }
0x5: {  	_ = 	snop  }
0x6: {  	_ = 	snop  }
0x7: {  	_ = 	snop  }
__scs_overlays_trampoline_lowered:
0x8: {  	[smem:$0x3FAE] =	sst s0  }
0x9: {  	[smem:$0x3FAF] =	sst s1  }
0xa: {  	[smem:$0x3FB0] =	sst s2  }
0xb: {  	[smem:$0x3FB1] =	sst s3  }
0xc: {  	[smem:$0x3FB2] =	sst s4  }
0xd: {  	[smem:$0x3FB3] =	sst s5  }
0xe: {  	[smem:$0x3FB4] =	sst s6  }
0xf: {  	[smem:$0x3FB5] =	sst s7  }
0x10: {  	[smem:$0x3FB6] =	sst s8  }
0x11: {  	[smem:$0x3FB7] =	sst s9;
	s0 =	simm.s32 @!p0 $0x0  }
0x12: {  	s1 =	sld [smem:$0x3F9D];
	s0 =	simm.s32 @p0 $0x1  }
0x13: {  	[smem:$0x3FB8] =	sst s0;
	s0 =	simm.s32 @!p1 $0x0  }
0x14: {  	s2 =	sld [smem:$0x3F9C];
	s0 =	simm.s32 @p1 $0x1  }
0x15: {  	[smem:$0x3FB9] =	sst s0;
	s0 =	simm.s32 @!p2 $0x0  }
0x16: {  	s3 =	sld [smem:$0x3FDB];
	s0 =	simm.s32 @p2 $0x1  }
0x17: {  	s4 =	simm.s32 $0x1BF5;
	[smem:$0x3FBB] =	sst s0  }
0x18: {  	s0 =	sld [smem:$0x3F9E];
	_ =	swait.ge [sflag:s4], $0x0  }
0x19: {  	s7 =	sld [smem:$0x3F9F]  }
0x1a: {  	s8 =	sadd.s32 $0xFFFFE003, lr  }
0x1b: {  	s9 =	sadd.s32 $0xFFFFFEF7, lr;
	s5 =	simm.s32 $0xFFFFFFFF;
	p2 =	slt.u32 s8, $0xFFFFF086  }
0x1c: {  	p1 =	slt.u32 s9, $0xF7A;
	s5 =	simm.s32 @!p2 $0x0  }
0x1d: {  	s5 =	simm.s32 @p1 $0x1;
	p0 =	seq.s32 s7, s2  }
0x1e: {  	s7 =	smul.u32 @!p0 $0xF7A, s2;
	p2 =	seq.s32 @!p0 s5, $0x0  }
0x1f: {  	s9 =	smul.u32 $0xF7A, s1;
	s8 =	simm.s32 @!p0 $0x1BF5;
	p2 =	por !p2, p0  }
0x20: {  	[sflag:s8] =	ssyncset.s32 @!p0 $0xFFFFF086;
	s6 =	sadd.s32 @!p0 s3, s7;
	s7 =	simm.s32 @!p0 $0x108  }
0x21: {  	s3 =	sadd.s32 s3, s9;
	s6 =	sadd.s32 @!p0 $0x88, s6;
	s7 =	simm.s32 @p2 $0x1082  }
0x22: {  	[simem:s7], [sflag:s8] =	dma.local @!p0 [hbm:s6], $0xF7A  }
0x23: {  	s9 =	sor.u32 $0xD0000000, s2;
	s6 =	simm.s32 $0x108;
	_ =	swait.ge @!p0 [sflag:s8], $0x0  }
0x24: {  	s3 =	sadd.s32 $0x88, s3;
	s6 =	simm.s32 @!p1 $0x1082;
	[sflag:s4] =	ssyncset.s32 $0xFFFFF086  }
0x25: {  	[simem:s6], [sflag:s4] =	dma.local [hbm:s3], $0xF7A  }
0x26: {  	[smem:$0x3F9F] =	sst s1;
	(tag) =	ssettag s2;
	_ =	strace s9  }
0x27: {  	s1 =	sld [smem:$0x3FAF]  }
0x28: {  	s2 =	sld [smem:$0x3FB0]  }
0x29: {  	s4 =	sld [smem:$0x3FB2]  }
0x2a: {  	p0 =	seq.s32 s5, $0x0;
	s5 =	sld [smem:$0x3FB3]  }
0x2b: {  	s6 =	sld [smem:$0x3FB4]  }
0x2c: {  	s7 =	sld [smem:$0x3FB5]  }
0x2d: {  	s3 =	simm.s32 $0x108;
	s8 =	sld [smem:$0x3FB6]  }
0x2e: {  	s3 =	simm.s32 @!p0 $0x1082;
	s9 =	sld [smem:$0x3FB7]  }
0x2f: {  	lr =	sadd.s32 s0, s3;
	s0 =	sld [smem:$0x3FAE]  }
0x30: {  	s3 =	sld [smem:$0x3FB1]  }
0x31: {  	[smem:$0x3FBA] =	sst s10  }
0x32: {  	s10 =	sld [smem:$0x3FB8];
	_ =	sdelay $0x3  }
0x33: {  	p0 =	seq.s32 s10, $0x1;
	s10 =	sld [smem:$0x3FBA];
	_ =	sdelay $0x3  }
0x34: {  	[smem:$0x3FBA] =	sst s10  }
0x35: {  	s10 =	sld [smem:$0x3FB9];
	_ =	sdelay $0x3  }
0x36: {  	p1 =	seq.s32 s10, $0x1;
	s10 =	sld [smem:$0x3FBA];
	_ =	sdelay $0x3  }
0x37: {  	[smem:$0x3FBA] =	sst s10  }
0x38: {  	s10 =	sld [smem:$0x3FBB]  }
0x39: {  	_ = 	snop;
	(pc) =	sbr.ind lr, $3  }
0x3a: {  	_ = 	snop  }
0x3b: {  	_ = 	snop  }
0x3c: {  	p2 =	seq.s32 s10, $0x1;
	s10 =	sld [smem:$0x3FBA]  }
0x3d: {  	_ =	shalt  }
0x3e: {  	_ =	shalt  }
0x3f: {  	_ =	shalt  }
0x40: {  	_ =	shalt  }
0x41: {  	_ =	shalt  }
0x42: {  	_ =	shalt  }
0x43: {  	_ =	shalt  }
0x44: {  	_ =	shalt  }
0x45: {  	_ =	shalt  }
0x46: {  	_ =	shalt  }
0x47: {  	_ =	shalt  }
0x48: {  	_ =	shalt  }
0x49: {  	_ =	shalt  }
0x4a: {  	_ =	shalt  }
0x4b: {  	_ =	shalt  }
0x4c: {  	_ =	shalt  }
0x4d: {  	_ =	shalt  }
0x4e: {  	_ =	shalt  }
0x4f: {  	_ =	shalt  }
0x50: {  	_ =	shalt  }
0x51: {  	_ =	shalt  }
0x52: {  	_ =	shalt  }
0x53: {  	_ =	shalt  }
0x54: {  	_ =	shalt  }
0x55: {  	_ =	shalt  }
0x56: {  	_ =	shalt  }
0x57: {  	_ =	shalt  }
0x58: {  	_ =	shalt  }
0x59: {  	_ =	shalt  }
0x5a: {  	_ =	shalt  }
0x5b: {  	_ =	shalt  }
0x5c: {  	_ =	shalt  }
0x5d: {  	_ =	shalt  }
0x5e: {  	_ =	shalt  }
0x5f: {  	_ =	shalt  }
0x60: {  	_ =	shalt  }
0x61: {  	_ =	shalt  }
0x62: {  	_ =	shalt  }
0x63: {  	_ =	shalt  }
0x64: {  	_ =	shalt  }
0x65: {  	_ =	shalt  }
0x66: {  	_ =	shalt  }
0x67: {  	_ =	shalt  }
0x68: {  	_ =	shalt  }
0x69: {  	_ =	shalt  }
0x6a: {  	_ =	shalt  }
0x6b: {  	_ =	shalt  }
0x6c: {  	_ =	shalt  }
0x6d: {  	_ =	shalt  }
0x6e: {  	_ =	shalt  }
0x6f: {  	_ =	shalt  }
0x70: {  	_ =	shalt  }
0x71: {  	_ =	shalt  }
0x72: {  	_ =	shalt  }
0x73: {  	_ =	shalt  }
0x74: {  	_ =	shalt  }
0x75: {  	_ =	shalt  }
0x76: {  	_ =	shalt  }
0x77: {  	_ =	shalt  }
0x78: {  	_ =	shalt  }
0x79: {  	_ =	shalt  }
0x7a: {  	_ =	shalt  }
0x7b: {  	_ =	shalt  }
0x7c: {  	_ =	shalt  }
0x7d: {  	_ =	shalt  }
0x7e: {  	_ =	shalt  }
0x7f: {  	_ =	shalt  }
0x80: {  	_ =	shalt  }
0x81: {  	_ =	shalt  }
0x82: {  	_ =	shalt  }
0x83: {  	_ =	shalt  }
0x84: {  	_ =	shalt  }
0x85: {  	_ =	shalt  }
0x86: {  	_ =	shalt  }
0x87: {  	_ =	shalt  }
.Lfunc_end0:
.L_simem_size_0:
called_computation_lowered:
.L_overlay_start_0:
0x88: {  	s2 =	sld [smem:$0x3FD9]  }
0x89: {  	s3 =	sld [smem:$0x3FFE];
	_ =	sdelay $0x1  }
0x8a: {  	s1 =	srdreg.scid  }
0x8b: {  	s0 =	sand.u32 $0x1, s1  }
0x8c: {  	s14 =	sshll.u32 s0, $0xA;
	s2 =	sadd.s32 s3, s2  }
0x8d: {  	s2 =	sadd.s32 s2, s14  }
0x8e: {  	[smem:$0x3FC6] =	sst s2  }
0x8f: {  	_ = 	snop  }
0x90: {  	s2 =	sld [smem:$0x3FD0];
	_ =	sdelay $0x2  }
0x91: {  	s15 =	simm.s32 $0xA;
	s4 =	simm.s32 $0x10  }
0x92: {  	[smem:s4], [sflag:s15] =	dma.local [hbm:s2], $0x1  }
0x93: {  	_ =	swait.eq [sflag:s15], $0x1  }
0x94: {  	[sflag:s15] =	ssyncset.done $0x0  }
0x95: {  	[sflag:s15] =	ssyncadd.s32 $0xFFFFFFFF  }
0x96: {  	s16 =	sld [smem:$0x10];
	(tm) =	ssettm $0x1  }
0x97: {  	s17 =	sld [smem:$0x3FFB];
	_ =	sdelay $0x3  }
0x98: {  	_ =	strace s17  }
0x99: {  	s3 =	sld [smem:$0x3FFC];
	_ =	sdelay $0x3  }
0x9a: {  	_ =	strace s3  }
0x9b: {  	s3 =	sld [smem:$0x3FFD];
	_ =	sdelay $0x3  }
0x9c: {  	_ =	strace s3  }
0x9d: {  	_ =	strace $0x8FFFFFFF  }
0x9e: {  	s18 =	sld [smem:$0x3FDB];
	_ =	sdelay $0x1  }
0x9f: {  	s19 =	simm.s32 $_scs_section_size  }
0xa0: {  	s5 =	simm.s32 $_size__tile_overlayer_lowered;
	s6 =	simm.s32 $_tile_overlayer_lowered  }
0xa1: {  	s22 =	simm.s32 $0x1BFF;
	s21 =	sshll.u32 s6, $0x1;
	s3 =	sadd.s32 s19, s18  }
0xa2: {  	s7 =	simm.s32 $0x0;
	s20 =	sshll.u32 s5, $0x1;
	s5 =	sadd.s32 s21, s3  }
0xa3: {  	[timem:s7], [sflag:s22] =	dma.local [hbm:s5], s20  }
0xa4: {  	_ =	swait.ge [sflag:s22], s20  }
0xa5: {  	s4 =	ssub.s32 $0x0, s20;
	[sflag:s22] =	ssyncset.done $0x0  }
0xa6: {  	[sflag:s22] =	ssyncadd.s32 s4;
	_ =	sdelay $0x1  }
0xa7: {  	s23 =	simm.s32 $0x1B8B  }
0xa8: {  	_ =	swait.ge [sflag:s23], $0x1  }
0xa9: {  	[sflag:s23] =	ssyncset.done $0x0  }
0xaa: {  	s25 =	simm.s32 $0x1B8E;
	s24 =	sld [smem:$0x3FFE];
	[sflag:s23] =	ssyncadd.s32 $0xFFFFFFFF  }
0xab: {  	s26 =	simm.s32 $execute0_lowered;
	[smem:$0x3FD2] =	sst s25  }
0xac: {  	s5 =	sshll.u32 s26, $0x1;
	_ =	strace $0x80000046;
	[dreg:$0x1] =	wrdreg $0xFFFFFFFF  }
0xad: {  	s28 =	simm.s32 $_size_execute0_lowered;
	s3 =	sadd.s32 s3, s5;
	[dreg:$0x0] =	wrdreg $0x0  }
0xae: {  	s5 =	sshll.u32 s28, $0x1;
	[dreg:$0x2] =	wrdreg s3  }
0xaf: {  	[dreg:$0x3] =	wrdreg s5  }
0xb0: {  	[dreg:$0x4] =	wrdreg $0xC0  }
0xb1: {  	_ =	task [dreg:s7], $0x5FFFF  }
0xb2: {  	[dreg:$0x1] =	wrdreg $0xFFFFFFFF  }
0xb3: {  	[dreg:$0x0] =	wrdreg $0x60  }
0xb4: {  	[dreg:$0x2] =	wrdreg s24  }
0xb5: {  	[dreg:$0x3] =	wrdreg s16  }
0xb6: {  	[dreg:$0x4] =	wrdreg $0x86000  }
0xb7: {  	[dreg:$0x5] =	wrdreg $0x9  }
0xb8: {  	_ =	task.clear_ibuf [dreg:s7], $0x6FFFF;
	_ =	strace $0x90000046  }
0xb9: {  	s29 =	simm.s32 $0x9;
	_ =	strace $0x80000048  }
0xba: {  	_ =	swait.ge [sflag:s29], $0x1  }
0xbb: {  	[sflag:s29] =	ssyncadd.s32 $0xFFFFFFFF  }
0xbc: {  	_ =	strace $0x90000048  }
0xbd: {  	_ =	sfence  }
0xbe: {  	s30 =	sld [smem:$0x0];
	_ =	sdelay $0x2  }
0xbf: {  	s31 =	sshll.u32 s1, $0xD;
	s1 =	sshrl.u32 s1, $0x2  }
0xc0: {  	s3 =	sand.u32 $0x4000, s31;
	s1 =	sadd.s32 s1, s30  }
0xc1: {  	s0 =	sor.u32 s3, s0;
	s1 =	sshll.u32 s1, $0x11  }
0xc2: {  	s0 =	sor.u32 s1, s0  }
0xc3: {  	s0 =	sadd.s32 $0x8F2B, s0  }
0xc4: {  	[sflag:s0] =	ssyncadd.remote.s32 $0x1  }
0xc5: {  	_ =	sfence.sel $0xFFFF  }
0xc6: {  	[dreg:$0x0] =	wrdreg $0xFFFFFFFF;
	(pc) =	sbr.abs _section_cstart, $3  }
0xc7: {  	[dreg:$0x1] =	wrdreg $0xFFFFFFFF  }
0xc8: {  	_ =	task.clear_ibuf [dreg:s7], $0x2FFFF;
	_ =	strace $0x9FFFFFFF  }
0xc9: {  	(tm) =	ssettm $0x7FFFFFFF  }
tec
execute0_lowered:
.L_overlay_start_1:
0x0: {  	(tag) =	ssettag $0x1  }
0x1: {  	s4 =	rddreg [dreg:$0x0]  }
0x2: {  	s6 =	rddreg [dreg:$0x1]  }
0x3: {  	s1 =	rddreg [dreg:$0x2]  }
0x4: {  	s0 =	rddreg [dreg:$0x3];
	s3 =	srdreg.scid  }
0x5: {  	s2 =	simm.s32 $0x0;
	s9 =	stileid.u32;
	s12 =	simm.s32 $0x200  }
0x6: {  	s13 =	simm.s32 $0x2200;
	s14 =	simm.s32 $0x100;
	s15 =	simm.s32 $0x4200  }
0x7: {  	s16 =	simm.s32 $0x180;
	s17 =	simm.s32 $0x6200;
	s18 =	simm.s32 $0x8200  }
0x8: {  	s19 =	simm.s32 $0x8280;
	s20 =	simm.s32 $0x8300;
	s21 =	simm.s32 $0x8380  }
0x9: {  	s22 =	simm.s32 $0x1;
	s5 =	sand.u32 $0x1, s3;
	[smem:$0x7FF] =	sst s2  }
0xa: {  	s7 =	sshll.u32 s9, $0xA;
	s3 =	sadd.s32 $0x1600, s4;
	s31 =	sshll.u32 s9, $0x9  }
0xb: {  	p0 =	sne.s32 s9, $0x0;
	s9 =	simm.s32 $0x2;
	s8 =	sshll.u32 s5, $0x9  }
0xc: {  	_ =	strace $0x80000047;
	s10 =	sshll.u32 s5, $0xA;
	s5 =	ssub.s32 $0x2, s5  }
0xd: {  	s23 =	sshrl.u32 @!p0 s1, $0x3;
	s7 =	sor.u32 s8, s7;
	s30 =	sshrl.u32 s5, $0x1  }
0xe: {  	s10 =	sadd.s32 s10, s4;
	s8 =	sshrl.u32 s7, $0x3;
	s11 =	ssub.s32 s5, s30  }
0xf: {  	s7 =	sshll.u32 s7, $0x3;
	s5 =	sadd.s32 s31, s1;
	s8 =	sadd.s32 s8, s4  }
0x10: {  	s6 =	sadd.s32 s6, s7;
	s7 =	sadd.s32 $0x51E00, s10;
	s10 =	simm.s32 $0x8400  }
0x11: {  	v0 =	vimm.f32 $1.000000000e+00;
	v1 =	vimm.f32 $0.0e+00;
	s4 =	sadd.s32 $0x11600, s8;
	s8 =	smax.u32 s11, $0x1;
	s11 =	simm.s32 $0x80  }
.LBB2_1:
0x12: {  	[tilespmem:s2], [sflag:$0x2] =	stream.linear.gather [hbm4b:s4+s2], $0x200, $0x38;
	[tilespmem:$0x8800] =	vst v63  }
0x13: {  	_ =	swait.ge [sflag:s9], $0x200  }
0x14: {  	[sflag:s9] =	ssyncset.done $0x0  }
0x15: {  	[sflag:s9] =	ssyncadd.s32 $0xFFFFFE00  }
0x16: {  	[tilespmem:$0x8200] =	vst v0  }
0x17: {  	[tilespmem:$0x8210] =	vst v0  }
0x18: {  	[tilespmem:$0x8220] =	vst v0  }
0x19: {  	[tilespmem:$0x8230] =	vst v0  }
0x1a: {  	[tilespmem:$0x8240] =	vst v0  }
0x1b: {  	[tilespmem:$0x8250] =	vst v0  }
0x1c: {  	[tilespmem:$0x8260] =	vst v0  }
0x1d: {  	[tilespmem:$0x8270] =	vst v0  }
0x1e: {  	[tilespmem:$0x8280] =	vst v0  }
0x1f: {  	[tilespmem:$0x8290] =	vst v0  }
0x20: {  	[tilespmem:$0x82A0] =	vst v0  }
0x21: {  	[tilespmem:$0x82B0] =	vst v0  }
0x22: {  	[tilespmem:$0x82C0] =	vst v0  }
0x23: {  	[tilespmem:$0x82D0] =	vst v0  }
0x24: {  	[tilespmem:$0x82E0] =	vst v0  }
0x25: {  	[tilespmem:$0x82F0] =	vst v0  }
0x26: {  	[tilespmem:$0x8300] =	vst v0  }
0x27: {  	[tilespmem:$0x8310] =	vst v0  }
0x28: {  	[tilespmem:$0x8320] =	vst v0  }
0x29: {  	[tilespmem:$0x8330] =	vst v0  }
0x2a: {  	[tilespmem:$0x8340] =	vst v0  }
0x2b: {  	[tilespmem:$0x8350] =	vst v0  }
0x2c: {  	[tilespmem:$0x8360] =	vst v0  }
0x2d: {  	[tilespmem:$0x8370] =	vst v0  }
0x2e: {  	[tilespmem:$0x8380] =	vst v0  }
0x2f: {  	[tilespmem:$0x8390] =	vst v0  }
0x30: {  	[tilespmem:$0x83A0] =	vst v0  }
0x31: {  	[tilespmem:$0x83B0] =	vst v0  }
0x32: {  	[tilespmem:$0x83C0] =	vst v0  }
0x33: {  	[tilespmem:$0x83D0] =	vst v0  }
0x34: {  	[tilespmem:$0x83E0] =	vst v0  }
0x35: {  	[tilespmem:$0x83F0] =	vst v0  }
0x36: {  	[tilespmem:$0x8400] =	vst v1  }
0x37: {  	[tilespmem:$0x8410] =	vst v1  }
0x38: {  	[tilespmem:$0x8420] =	vst v1  }
0x39: {  	[tilespmem:$0x8430] =	vst v1  }
0x3a: {  	[tilespmem:$0x8440] =	vst v1  }
0x3b: {  	[tilespmem:$0x8450] =	vst v1  }
0x3c: {  	[tilespmem:$0x8460] =	vst v1  }
0x3d: {  	[tilespmem:$0x8470] =	vst v1  }
0x3e: {  	[tilespmem:$0x8480] =	vst v1  }
0x3f: {  	[tilespmem:$0x8490] =	vst v1  }
0x40: {  	[tilespmem:$0x84A0] =	vst v1  }
0x41: {  	[tilespmem:$0x84B0] =	vst v1  }
0x42: {  	[tilespmem:$0x84C0] =	vst v1  }
0x43: {  	[tilespmem:$0x84D0] =	vst v1  }
0x44: {  	[tilespmem:$0x84E0] =	vst v1  }
0x45: {  	[tilespmem:$0x84F0] =	vst v1  }
0x46: {  	[tilespmem:$0x8500] =	vst v1  }
0x47: {  	[tilespmem:$0x8510] =	vst v1  }
0x48: {  	[tilespmem:$0x8520] =	vst v1  }
0x49: {  	[tilespmem:$0x8530] =	vst v1  }
0x4a: {  	[tilespmem:$0x8540] =	vst v1  }
0x4b: {  	[tilespmem:$0x8550] =	vst v1  }
0x4c: {  	[tilespmem:$0x8560] =	vst v1  }
0x4d: {  	[tilespmem:$0x8570] =	vst v1  }
0x4e: {  	[tilespmem:$0x8580] =	vst v1  }
0x4f: {  	[tilespmem:$0x8590] =	vst v1  }
0x50: {  	[tilespmem:$0x85A0] =	vst v1  }
0x51: {  	[tilespmem:$0x85B0] =	vst v1  }
0x52: {  	[tilespmem:$0x85C0] =	vst v1  }
0x53: {  	[tilespmem:$0x85D0] =	vst v1  }
0x54: {  	[tilespmem:$0x85E0] =	vst v1  }
0x55: {  	[tilespmem:$0x85F0] =	vst v1  }
0x56: {  	[spmem:s5] =	stream.linear.scatter [tilespmem:s10], [sflag:$0x2], $0x200, $0x38;
	[tilespmem:$0x8800] =	vst v63  }
0x57: {  	_ =	swait.ge [sflag:s9], $0x200  }
0x58: {  	[sflag:s9] =	ssyncset.done $0x0  }
0x59: {  	[sflag:s9] =	ssyncadd.s32 $0xFFFFFE00  }
0x5a: {  	[bflag:$0x0] =	sbarrier.arrive $0xFFFF  }
0x5b: {  	[tilespmem:s12], [sflag:$0x1] =	stream.indirect.gather [hbm4b:s3+s11], $0x40, s2, s11, $0xb8;
	[tilespmem:$0x8800] =	vst v63  }
0x5c: {  	_ = 	snop  }
0x5d: {  	[tilespmem:s13], [sflag:$0x1] =	stream.indirect.gather [hbm4b:s3+s11], $0x40, s11, s11, $0xb8;
	[tilespmem:$0x8800] =	vst v63  }
0x5e: {  	_ = 	snop  }
0x5f: {  	[tilespmem:s15], [sflag:$0x1] =	stream.indirect.gather [hbm4b:s3+s11], $0x40, s14, s11, $0xb8;
	[tilespmem:$0x8800] =	vst v63  }
0x60: {  	_ = 	snop  }
0x61: {  	[tilespmem:s17], [sflag:$0x1] =	stream.indirect.gather [hbm4b:s3+s11], $0x40, s16, s11, $0xb8;
	[tilespmem:$0x8800] =	vst v63  }
0x62: {  	_ = 	snop  }
0x63: {  	[spmem:s1] =	stream.indirect.scatter.add.f32 [tilespmem:s18], [sflag:$0x2], $0x1, s2, s11, $0xb8;
	[tilespmem:$0x8800] =	vst v63  }
0x64: {  	_ =	swait.ge [sflag:s9], $0x80  }
0x65: {  	[sflag:s9] =	ssyncset.done $0x0  }
0x66: {  	[sflag:s9] =	ssyncadd.s32 $0xFFFFFF80  }
0x67: {  	[spmem:s1] =	stream.indirect.scatter.add.f32 [tilespmem:s19], [sflag:$0x2], $0x1, s11, s11, $0xb8;
	[tilespmem:$0x8800] =	vst v63  }
0x68: {  	_ =	swait.ge [sflag:s9], $0x80  }
0x69: {  	[sflag:s9] =	ssyncset.done $0x0  }
0x6a: {  	[sflag:s9] =	ssyncadd.s32 $0xFFFFFF80  }
0x6b: {  	[spmem:s1] =	stream.indirect.scatter.add.f32 [tilespmem:s20], [sflag:$0x2], $0x1, s14, s11, $0xb8;
	[tilespmem:$0x8800] =	vst v63  }
0x6c: {  	_ =	swait.ge [sflag:s9], $0x80  }
0x6d: {  	[sflag:s9] =	ssyncset.done $0x0  }
0x6e: {  	[sflag:s9] =	ssyncadd.s32 $0xFFFFFF80  }
0x6f: {  	[spmem:s1] =	stream.indirect.scatter.add.f32 [tilespmem:s21], [sflag:$0x2], $0x1, s16, s11, $0xb8;
	[tilespmem:$0x8800] =	vst v63  }
0x70: {  	_ =	swait.ge [sflag:s9], $0x80  }
0x71: {  	[sflag:s9] =	ssyncset.done $0x0  }
0x72: {  	[sflag:s9] =	ssyncadd.s32 $0xFFFFFF80  }
0x73: {  	_ =	swait.ge [sflag:s22], $0x2000  }
0x74: {  	[sflag:s22] =	ssyncset.done $0x0  }
0x75: {  	[sflag:s22] =	ssyncadd.s32 $0xFFFFE000  }
0x76: {  	_ =	swait.ge [sflag:s22], $0x2000  }
0x77: {  	[sflag:s22] =	ssyncset.done $0x0  }
0x78: {  	[sflag:s22] =	ssyncadd.s32 $0xFFFFE000  }
0x79: {  	_ =	swait.ge [sflag:s22], $0x2000  }
0x7a: {  	[sflag:s22] =	ssyncset.done $0x0  }
0x7b: {  	[sflag:s22] =	ssyncadd.s32 $0xFFFFE000  }
0x7c: {  	_ =	swait.ge [sflag:s22], $0x2000  }
0x7d: {  	[sflag:s22] =	ssyncset.done $0x0  }
0x7e: {  	[sflag:s22] =	ssyncadd.s32 $0xFFFFE000  }
0x7f: {  	[hbm4b:s6+s2] =	stream.linear.scatter [tilespmem:s12], [sflag:$0x2], $0x8000, $0x38;
	[tilespmem:$0x8800] =	vst v63  }
0x80: {  	_ =	swait.ge [sflag:s9], $0x8000  }
0x81: {  	[sflag:s9] =	ssyncset.done $0x0  }
0x82: {  	s8 =	sadd.s32 $0xFFFFFFFF, s8;
	[sflag:s9] =	ssyncadd.s32 $0xFFFF8000  }
0x83: {  	s24 =	simm.s32 @!p0 $0x1C02;
	p1 =	sne.s32 s8, $0x0;
	[bflag:$0x0] =	sbarrier.arrive $0xFFFF  }
0x84: {  	[hbm:s7], [sflag:s24] =	dma.local @!p0 [spmem:s23], $0x400  }
.Ltmp0:
0x85: {  	_ = 	snop;
	(pc) =	sbr.rel @p1 .LBB2_1-.Ltmp0, $4  }
0x86: {  	s24 =	simm.s32 @!p0 $0x2  }
0x87: {  	_ =	swait.ge @!p0 [sflag:s24], $0x400  }
0x88: {  	[sflag:s24] =	ssyncset.done @!p0 $0x0  }
0x89: {  	[sflag:s24] =	ssyncadd.s32 @!p0 $0xFFFFFC00  }
0x8a: {  	_ =	sfence.sel $0x180000  }
0x8b: {  	[bflag:$0x0] =	sbarrier.arrive $0xFFFF  }
0x8c: {  	_ =	strace $0x90000047  }
0x8d: {  	s0 =	sadd.s32 @!p0 $0x100000, s0;
	[bflag:$0x2] =	sbarrier.arrive $0xFFFF  }
0x8e: {  	[sflag:s0] =	ssyncadd.tile.s32 @!p0 $0x1;
	_ =	shalt  }
.Lfunc_end2:
_tile_overlayer_lowered:
.L_overlay_start_2:
0x8f: {  	(tag) =	ssettag $0x2  }
0x90: {  	s0 =	rddreg [dreg:$0x0];
	s2 =	stileid.u32  }
0x91: {  	s1 =	rddreg [dreg:$0x1];
	p0 =	sne.s32 s2, $0x0  }
0x92: {  	s3 =	rddreg [dreg:$0x2];
	[bflag:$0x3] =	sbarrier.arrive $0xFFFF;
	s2 =	simm.s32 @!p0 $0x1C02  }
0x93: {  	[timem:s3], [sflag:s2] =	dma.local @!p0 [hbm:s0], s1  }
0x94: {  	s0 =	simm.s32 @!p0 $0x2  }
0x95: {  	_ =	swait.ge @!p0 [sflag:s0], s1  }
0x96: {  	s1 =	ssub.s32 @!p0 $0x0, s1;
	[sflag:s0] =	ssyncset.done @!p0 $0x0  }
0x97: {  	[sflag:s0] =	ssyncadd.s32 @!p0 s1  }
0x98: {  	[bflag:$0x3] =	sbarrier.arrive $0xFFFF  }
0x99: {  	_ =	shalt  }

</sc_bundles>
